<compile_context>
chip_gen: v7x
topology: tpu7x:2x2x1
jax: 0.10.2.dev20260603
libtpu: 0.0.44.dev20260713+nightly
codegen_flags: <defaults>
</compile_context>

<pallas_src>
import functools

import jax
import jax.numpy as jnp
from jax import lax
from jax.experimental import pallas as pl
from jax.experimental.pallas import tpu as pltpu
from jax.experimental.pallas import tpu_sc as plsc

_B, _H, _W, _C = 4, 112, 112, 192
_X = 2 * _W
_N = _B * _H * _C * _W
_NB = _H * _C * _W
_OB = 2 * _H * _C * _X
_OUT_WORDS = _B * _OB

_TRASH = 16384
_CH = 15 * 131072 - _TRASH
_K = 5
_LAST = _OB - (_K - 1) * _CH
_NSUB = 16
_PT = _NB // _NSUB
_WIN = 1536
_NWIN = _PT // _WIN
_ZSH = _CH // _NSUB
_SSH = _CH // _NSUB
_LSH = _LAST // _NSUB
_NROUND = (_B * _K) // 2


_PRE_BH = 16


def _compact(v):
    r = v.shape[0]
    a = v.reshape(r // 8, 8, _W)
    outs = []
    for i in range(7):
        off = 16 * i
        outs.append(jnp.concatenate(
            [a[:, i, off:], a[:, i + 1, :off + 16]], axis=1))
    return jnp.stack(outs, axis=1).reshape(r * 7 // 8, 128)


def _pre_body(mask_ref, upd_ref, dest_ref, uflat_ref):
    m = mask_ref[...]
    u = upd_ref[...]
    c = lax.broadcasted_iota(jnp.int32, m.shape, 1)
    n = (m >> 6).astype(jnp.uint32)
    hi = n >> 16
    t = (n & 0xFFFF) + hi
    r = (21845 * hi + ((t * 43691) >> 17)).astype(jnp.int32)
    y = ((r >> 5) * 9363) >> 16
    x = r - y * _X
    dest = y * (_C * _X) + c * _X + x
    dest_ref[...] = _compact(dest.reshape(_PRE_BH * _C, _W))
    uflat_ref[...] = _compact(u.reshape(_PRE_BH * _C, _W))


def _preprocess(mask, updates, h):
    m3 = jnp.transpose(mask, (0, 1, 3, 2)).reshape(_B * _H, _C, _W)
    u3 = jnp.transpose(updates, (0, 1, 3, 2)).reshape(_B * _H, _C, _W)
    nblk = _B * _H // _PRE_BH // 2
    obk = _PRE_BH * _C * _W // 128
    dest, uflat = pl.pallas_call(
        _pre_body,
        out_shape=(jax.ShapeDtypeStruct((_N // 2 // 128, 128), jnp.int32),
                   jax.ShapeDtypeStruct((_N // 2 // 128, 128), jnp.float32)),
        grid=(nblk,),
        in_specs=[
            pl.BlockSpec((_PRE_BH, _C, _W), lambda i: (i + h * nblk, 0, 0)),
            pl.BlockSpec((_PRE_BH, _C, _W), lambda i: (i + h * nblk, 0, 0))],
        out_specs=(pl.BlockSpec((obk, 128), lambda i: (i, 0)),
                   pl.BlockSpec((obk, 128), lambda i: (i, 0))),
    )(m3, u3)
    return dest.reshape(_N // 2), uflat.reshape(_N // 2)


_POST_ROWS = 2048
_OROWS = _B * 2 * _H * _C
_HROWS = _OROWS // 2


def _post_body(flat_ref, out_ref):
    a = flat_ref[...].reshape(_POST_ROWS // 4, 7, 128)
    r0 = jnp.concatenate([a[:, 0, :], a[:, 1, :96]], axis=1)
    r1 = jnp.concatenate([a[:, 1, 96:], a[:, 2, :], a[:, 3, :64]], axis=1)
    r2 = jnp.concatenate([a[:, 3, 64:], a[:, 4, :], a[:, 5, :32]], axis=1)
    r3 = jnp.concatenate([a[:, 5, 32:], a[:, 6, :]], axis=1)
    rows = jnp.stack([r0, r1, r2, r3], axis=1)
    out_ref[...] = rows.reshape(_POST_ROWS, _X)


def _post_body2(_, flat_ref, out_ref):
    _post_body(flat_ref, out_ref)


def _postprocess(flat_a, flat_b):
    nblk = _HROWS // _POST_ROWS
    ibk = _POST_ROWS * 7 // 4
    half = pl.pallas_call(
        _post_body,
        out_shape=jax.ShapeDtypeStruct((_OROWS, _X), jnp.float32),
        grid=(nblk,),
        in_specs=[pl.BlockSpec((ibk, 128), lambda i: (i, 0))],
        out_specs=pl.BlockSpec((_POST_ROWS, _X), lambda i: (i, 0)),
    )(flat_a.reshape(_OUT_WORDS // 2 // 128, 128))
    out = pl.pallas_call(
        _post_body2,
        out_shape=jax.ShapeDtypeStruct((_OROWS, _X), jnp.float32),
        grid=(nblk,),
        in_specs=[pl.BlockSpec(memory_space=pl.ANY),
                  pl.BlockSpec((ibk, 128), lambda i: (i, 0))],
        out_specs=pl.BlockSpec((_POST_ROWS, _X),
                               lambda i: (i + nblk, 0)),
        input_output_aliases={0: 0},
    )(half, flat_b.reshape(_OUT_WORDS // 2 // 128, 128))
    out = out.reshape(_B, 2 * _H, _C, _X)
    return jnp.transpose(out, (0, 1, 3, 2))


_mesh = plsc.VectorSubcoreMesh(core_axis_name="c", subcore_axis_name="s")


def _make_sc_scatter(bo):

  @functools.partial(
      pl.kernel,
      out_type=jax.ShapeDtypeStruct((_OUT_WORDS // 2,), jnp.float32),
      mesh=_mesh,
      scratch_types=[
          pltpu.VMEM_SHARED((_CH + _TRASH,), jnp.float32),
          pltpu.VMEM((_WIN,), jnp.int32),
          pltpu.VMEM((_WIN,), jnp.int32),
          pltpu.VMEM((_WIN,), jnp.float32),
          pltpu.VMEM((_WIN,), jnp.float32),
          pltpu.VMEM((_WIN,), jnp.int32),
          pltpu.SemaphoreType.DMA,
          pltpu.SemaphoreType.DMA,
          pltpu.SemaphoreType.DMA,
          pltpu.SemaphoreType.DMA,
      ],
  )
  def _sc_scatter(dest_hbm, upd_hbm, zero_hbm, out_hbm, acc_sh, d0, d1, u0,
                  u1, idx_v, sd0, sd1, su0, su1):
    core = lax.axis_index("c")
    sub = lax.axis_index("s")

    @pl.loop(0, _NROUND // 2)
    def _(r):
        g = bo * _K + r * 2 + core
        b = g // _K
        k = g % _K
        ibase = (b - bo) * _NB + sub * _PT
        cbase = k * _CH

        zoff = pl.multiple_of(sub * _ZSH, 8)
        pltpu.sync_copy(zero_hbm.at[pl.ds(zoff, _ZSH)],
                        acc_sh.at[pl.ds(zoff, _ZSH)])
        plsc.subcore_barrier()

        def start_load(w, db, ub, sdb, sub_):
            off = pl.multiple_of(ibase + w * _WIN, 8)
            pltpu.async_copy(dest_hbm.at[pl.ds(off, _WIN)], db, sdb)
            pltpu.async_copy(upd_hbm.at[pl.ds(off, _WIN)], ub, sub_)

        def wait_load(db, ub, sdb, sub_):
            pltpu.make_async_copy(dest_hbm.at[pl.ds(0, _WIN)], db, sdb).wait()
            pltpu.make_async_copy(upd_hbm.at[pl.ds(0, _WIN)], ub, sub_).wait()

        def process(db, ub):
            @pl.loop(0, _WIN // 16)
            def _(i):
                d = db[pl.ds(i * 16, 16)]
                rel = d - cbase
                inb = plsc.bitcast(rel, jnp.uint32) < jnp.uint32(_CH)
                tr = _CH + (d & (_TRASH - 1))
                idx_v[pl.ds(i * 16, 16)] = jnp.where(inb, rel, tr)

            pltpu.sync_copy(ub, acc_sh.at[idx_v], add=True)

        start_load(0, d0, u0, sd0, su0)
        start_load(1, d1, u1, sd1, su1)

        @pl.loop(0, _NWIN // 2 - 1)
        def _(j):
            w = j * 2
            wait_load(d0, u0, sd0, su0)
            process(d0, u0)
            start_load(w + 2, d0, u0, sd0, su0)
            wait_load(d1, u1, sd1, su1)
            process(d1, u1)
            start_load(w + 3, d1, u1, sd1, su1)

        wait_load(d0, u0, sd0, su0)
        process(d0, u0)
        wait_load(d1, u1, sd1, su1)
        process(d1, u1)
        plsc.subcore_barrier()

        @pl.when(k < _K - 1)
        def _():
            soff = pl.multiple_of(sub * _SSH, 8)
            obase = pl.multiple_of((b - bo) * _OB + k * _CH + sub * _SSH, 8)
            pltpu.sync_copy(acc_sh.at[pl.ds(soff, _SSH)],
                            out_hbm.at[pl.ds(obase, _SSH)])

        @pl.when(k == _K - 1)
        def _():
            soff = pl.multiple_of(sub * _LSH, 8)
            obase = pl.multiple_of((b - bo) * _OB + k * _CH + sub * _LSH, 8)
            pltpu.sync_copy(acc_sh.at[pl.ds(soff, _LSH)],
                            out_hbm.at[pl.ds(obase, _LSH)])

        plsc.subcore_barrier()

  return _sc_scatter


_sc_scatter_a = _make_sc_scatter(0)
_sc_scatter_b = _make_sc_scatter(2)


def kernel(updates, mask):
    mask = mask.astype(jnp.int32)
    dest_a, upd_a = _preprocess(mask, updates, 0)
    dest_b, upd_b = _preprocess(mask, updates, 1)
    zeros = jnp.zeros((_CH,), jnp.float32)
    out_a = _sc_scatter_a(dest_a, upd_a, zeros)
    out_b = _sc_scatter_b(dest_b, upd_b, zeros)
    return _postprocess(out_a, out_b)

# --- scband reference (transcript-rebuilt; emitter-appended) ---
"""Pipeline reference for scband-advanced-up-sampling2-d-15522011808059 (READ-ONLY COPY).

The authoritative reference and input builder live on the scoring server;
editing this copy changes nothing except your own understanding.
"""

import jax, jax.numpy as jnp
import numpy as np

SIZE = (2, 2)
B, H, W, C = 4, 112, 112, 192


def setup_inputs(seed: int = 0) -> dict:
    key = jax.random.key(seed)
    k1, k2 = jax.random.split(key)
    updates = jax.random.normal(k1, (B, H, W, C), dtype=jnp.float32)
    out_flat_size = (H * SIZE[0]) * (W * SIZE[1]) * C
    mask = jax.random.randint(k2, (B, H, W, C), 0, out_flat_size, dtype=jnp.int32)
    return {"updates": updates, "mask": mask}


def reference(updates, mask):
    # Faithful translation of AdvancedUpSampling2D.call (max-unpooling scatter)
    mask = mask.astype(jnp.int32)
    b_, h_, w_, c_ = updates.shape
    out_h = h_ * SIZE[0]
    out_w = w_ * SIZE[1]
    one_like_mask = jnp.ones_like(mask, dtype=jnp.int32)
    batch_range = jnp.arange(b_, dtype=jnp.int32).reshape(b_, 1, 1, 1)
    b = one_like_mask * batch_range
    y = mask // (out_w * c_)
    x = (mask // c_) % out_w
    c = one_like_mask * jnp.arange(c_, dtype=jnp.int32)
    updates_size = updates.size
    bi = b.reshape(updates_size)
    yi = y.reshape(updates_size)
    xi = x.reshape(updates_size)
    ci = c.reshape(updates_size)
    flat_updates = updates.reshape(updates_size)
    out = jnp.zeros((b_, out_h, out_w, c_), dtype=updates.dtype)
    # tf.scatter_nd accumulates duplicate indices -> scatter-add
    res = out.at[bi, yi, xi, ci].add(flat_updates)
    return res

if __name__ == "__main__":
    import jax
    _d = setup_inputs()
    print(jax.jit(kernel)(*tuple(_d.values())))

</pallas_src>

<mosaic_0001>
#map = affine_map<(d0, d1) -> (0)>
module attributes {stable_mosaic.version = 14 : i64} {
  func.func @_sc_scatter(%arg0: i32, %arg1: i32, %arg2: memref<4816896xi32, #tpu.memory_space<hbm>>, %arg3: memref<4816896xf32, #tpu.memory_space<hbm>>, %arg4: memref<1949696xf32, #tpu.memory_space<hbm>>, %arg5: memref<19267584xf32, #tpu.memory_space<hbm>>, %arg6: memref<1966080xf32, #tpu.memory_space<vmem_shared>>, %arg7: memref<1536xi32, #tpu.memory_space<vmem>>, %arg8: memref<1536xi32, #tpu.memory_space<vmem>>, %arg9: memref<1536xf32, #tpu.memory_space<vmem>>, %arg10: memref<1536xf32, #tpu.memory_space<vmem>>, %arg11: memref<1536xi32, #tpu.memory_space<vmem>>, %arg12: memref<!tpu.dma_semaphore, #tpu.memory_space<semaphore_mem>>, %arg13: memref<!tpu.dma_semaphore, #tpu.memory_space<semaphore_mem>>, %arg14: memref<!tpu.dma_semaphore, #tpu.memory_space<semaphore_mem>>, %arg15: memref<!tpu.dma_semaphore, #tpu.memory_space<semaphore_mem>>) attributes {dimension_semantics = [#tpu.dimension_semantics<core_parallel>, #tpu.dimension_semantics<subcore_parallel>], iteration_bounds = array<i64: 2, 16>, scalar_prefetch = 0 : i64, scratch_operands = 10 : i64, tpu.core_type = #tpu.core_type<sc_vector_subcore>, window_params = [{transform_indices = #map}, {transform_indices = #map}, {transform_indices = #map}, {transform_indices = #map}]} {
    %scan3A = arith.constant 0 : i32
    %scan3A_0 = arith.constant 5 : i32
    %scan3A_1 = arith.addi %scan3A, %scan3A_0 : i32
    %scan3A_2 = arith.constant 1 : i32
    scf.for %scan3A_4 = %scan3A to %scan3A_1 step %scan3A_2  : i32 {
      %mul3A = arith.constant 1 : i32
      %mul3A_5 = arith.muli %scan3A_4, %mul3A : i32
      %add3A = arith.constant 0 : i32
      %add3A_6 = arith.addi %add3A, %mul3A_5 : i32
      %mul3A_7 = arith.constant 2 : i32
      %mul3A_8 = arith.muli %add3A_6, %mul3A_7 : i32
      %add3A_9 = arith.constant 0 : i32
      %add3A_10 = arith.addi %add3A_9, %mul3A_8 : i32
      %add3A_11 = arith.addi %add3A_10, %arg0 : i32
      %jit3A = arith.constant 5 : i32
      %div3A = arith.divsi %add3A_11, %jit3A : i32
      %sign3A = arith.constant 0 : i32
      %sign3A_12 = arith.cmpi sgt, %add3A_11, %sign3A : i32
      %sign3A_13 = arith.extui %sign3A_12 : i1 to i32
      %sign3A_14 = arith.constant 0 : i32
      %sign3A_15 = arith.cmpi slt, %add3A_11, %sign3A_14 : i32
      %sign3A_16 = arith.extui %sign3A_15 : i1 to i32
      %sign3A_17 = arith.subi %sign3A_13, %sign3A_16 : i32
      %sign3A_18 = arith.constant 0 : i32
      %sign3A_19 = arith.cmpi sgt, %jit3A, %sign3A_18 : i32
      %sign3A_20 = arith.extui %sign3A_19 : i1 to i32
      %sign3A_21 = arith.constant 0 : i32
      %sign3A_22 = arith.cmpi slt, %jit3A, %sign3A_21 : i32
      %sign3A_23 = arith.extui %sign3A_22 : i1 to i32
      %sign3A_24 = arith.subi %sign3A_20, %sign3A_23 : i32
      %ne3A = arith.cmpi ne, %sign3A_17, %sign3A_24 : i32
      %rem3A = arith.remsi %add3A_11, %jit3A : i32
      %ne3A_25 = arith.constant 0 : i32
      %ne3A_26 = arith.cmpi ne, %rem3A, %ne3A_25 : i32
      %and3A = arith.andi %ne3A, %ne3A_26 : i1
      %sub3A = arith.constant 1 : i32
      %sub3A_27 = arith.subi %div3A, %sub3A : i32
      %select_n3A = arith.select %and3A, %sub3A_27, %div3A : i32
      %jit3A_28 = arith.constant 5 : i32
      %eq3A = arith.constant 0 : i32
      %eq3A_29 = arith.cmpi eq, %jit3A_28, %eq3A : i32
      %jit3A_30 = arith.constant 1 : i32
      %select_n3A_31 = arith.select %eq3A_29, %jit3A_30, %jit3A_28 : i32
      %rem3A_32 = arith.remsi %add3A_11, %select_n3A_31 : i32
      %ne3A_33 = arith.constant 0 : i32
      %ne3A_34 = arith.cmpi ne, %rem3A_32, %ne3A_33 : i32
      %lt3A = arith.constant 0 : i32
      %lt3A_35 = arith.cmpi slt, %rem3A_32, %lt3A : i32
      %lt3A_36 = arith.constant 0 : i32
      %lt3A_37 = arith.cmpi slt, %select_n3A_31, %lt3A_36 : i32
      %ne3A_38 = arith.xori %lt3A_35, %lt3A_37 : i1
      %and3A_39 = arith.andi %ne3A_38, %ne3A_34 : i1
      %add3A_40 = arith.addi %rem3A_32, %select_n3A_31 : i32
      %select_n3A_41 = arith.select %and3A_39, %add3A_40, %rem3A_32 : i32
      %sub3A_42 = arith.constant 0 : i32
      %sub3A_43 = arith.subi %select_n3A, %sub3A_42 : i32
      %mul3A_44 = arith.constant 2408448 : i32
      %mul3A_45 = arith.muli %sub3A_43, %mul3A_44 : i32
      %mul3A_46 = arith.constant 150528 : i32
      %mul3A_47 = arith.muli %arg1, %mul3A_46 : i32
      %add3A_48 = arith.addi %mul3A_45, %mul3A_47 : i32
      %mul3A_49 = arith.constant 1949696 : i32
      %mul3A_50 = arith.muli %select_n3A_41, %mul3A_49 : i32
      %mul3A_51 = arith.constant 121856 : i32
      %mul3A_52 = arith.muli %arg1, %mul3A_51 : i32
      %multiple_of3A = tpu.assume_multiple %mul3A_52, 8 : i32
      "tpu.region"() ({
        %run_scoped3A = tpu.sem_alloc : memref<!tpu.dma_semaphore, #tpu.memory_space<semaphore_mem>>
        %dma_start3A_106 = tpu.memref_slice %arg6[%multiple_of3A] : memref<1966080xf32, #tpu.memory_space<vmem_shared>> -> memref<121856xf32, #tpu.memory_space<vmem_shared>>
        %dma_start3A_107 = tpu.memref_slice %arg4[%multiple_of3A] : memref<1949696xf32, #tpu.memory_space<hbm>> -> memref<121856xf32, #tpu.memory_space<hbm>>
        tpu.enqueue_dma source(%dma_start3A_107 : memref<121856xf32, #tpu.memory_space<hbm>>) target(%dma_start3A_106 : memref<121856xf32, #tpu.memory_space<vmem_shared>>) target_semaphore(%run_scoped3A : memref<!tpu.dma_semaphore, #tpu.memory_space<semaphore_mem>>)
        %dma_wait3A_108 = tpu.memref_slice %arg6[%multiple_of3A] : memref<1966080xf32, #tpu.memory_space<vmem_shared>> -> memref<121856xf32, #tpu.memory_space<vmem_shared>>
        %dma_wait3A_109 = tpu.memref_slice %arg4[%multiple_of3A] : memref<1949696xf32, #tpu.memory_space<hbm>> -> memref<121856xf32, #tpu.memory_space<hbm>>
        tpu.wait_dma2 semaphore(%run_scoped3A : memref<!tpu.dma_semaphore, #tpu.memory_space<semaphore_mem>>) src(%dma_wait3A_109 : memref<121856xf32, #tpu.memory_space<hbm>>) dst(%dma_wait3A_108 : memref<121856xf32, #tpu.memory_space<vmem_shared>>)
        tpu.yield
      }) : () -> ()
      %barrier3A = arith.constant 0 : index
      tpu.barrier barrier_id(%barrier3A)
      %add3A_53 = arith.constant 0 : i32
      %add3A_54 = arith.addi %add3A_48, %add3A_53 : i32
      %multiple_of3A_55 = tpu.assume_multiple %add3A_54, 8 : i32
      %dma_start3A = tpu.memref_slice %arg2[%multiple_of3A_55] : memref<4816896xi32, #tpu.memory_space<hbm>> -> memref<1536xi32, #tpu.memory_space<hbm>>
      %dma_start3A_56 = tpu.memref_slice %arg2[%multiple_of3A_55] : memref<4816896xi32, #tpu.memory_space<hbm>> -> memref<1536xi32, #tpu.memory_space<hbm>>
      tpu.enqueue_dma source(%dma_start3A_56 : memref<1536xi32, #tpu.memory_space<hbm>>) target(%arg7 : memref<1536xi32, #tpu.memory_space<vmem>>) target_semaphore(%arg12 : memref<!tpu.dma_semaphore, #tpu.memory_space<semaphore_mem>>)
      %dma_start3A_57 = tpu.memref_slice %arg3[%multiple_of3A_55] : memref<4816896xf32, #tpu.memory_space<hbm>> -> memref<1536xf32, #tpu.memory_space<hbm>>
      %dma_start3A_58 = tpu.memref_slice %arg3[%multiple_of3A_55] : memref<4816896xf32, #tpu.memory_space<hbm>> -> memref<1536xf32, #tpu.memory_space<hbm>>
      tpu.enqueue_dma source(%dma_start3A_58 : memref<1536xf32, #tpu.memory_space<hbm>>) target(%arg9 : memref<1536xf32, #tpu.memory_space<vmem>>) target_semaphore(%arg14 : memref<!tpu.dma_semaphore, #tpu.memory_space<semaphore_mem>>)
      %add3A_59 = arith.constant 1536 : i32
      %add3A_60 = arith.addi %add3A_48, %add3A_59 : i32
      %multiple_of3A_61 = tpu.assume_multiple %add3A_60, 8 : i32
      %dma_start3A_62 = tpu.memref_slice %arg2[%multiple_of3A_61] : memref<4816896xi32, #tpu.memory_space<hbm>> -> memref<1536xi32, #tpu.memory_space<hbm>>
      %dma_start3A_63 = tpu.memref_slice %arg2[%multiple_of3A_61] : memref<4816896xi32, #tpu.memory_space<hbm>> -> memref<1536xi32, #tpu.memory_space<hbm>>
      tpu.enqueue_dma source(%dma_start3A_63 : memref<1536xi32, #tpu.memory_space<hbm>>) target(%arg8 : memref<1536xi32, #tpu.memory_space<vmem>>) target_semaphore(%arg13 : memref<!tpu.dma_semaphore, #tpu.memory_space<semaphore_mem>>)
      %dma_start3A_64 = tpu.memref_slice %arg3[%multiple_of3A_61] : memref<4816896xf32, #tpu.memory_space<hbm>> -> memref<1536xf32, #tpu.memory_space<hbm>>
      %dma_start3A_65 = tpu.memref_slice %arg3[%multiple_of3A_61] : memref<4816896xf32, #tpu.memory_space<hbm>> -> memref<1536xf32, #tpu.memory_space<hbm>>
      tpu.enqueue_dma source(%dma_start3A_65 : memref<1536xf32, #tpu.memory_space<hbm>>) target(%arg10 : memref<1536xf32, #tpu.memory_space<vmem>>) target_semaphore(%arg15 : memref<!tpu.dma_semaphore, #tpu.memory_space<semaphore_mem>>)
      %scan3A_66 = arith.constant 0 : i32
      %scan3A_67 = arith.constant 48 : i32
      %scan3A_68 = arith.addi %scan3A_66, %scan3A_67 : i32
      %scan3A_69 = arith.constant 1 : i32
      scf.for %scan3A_106 = %scan3A_66 to %scan3A_68 step %scan3A_69  : i32 {
        %mul3A_107 = arith.constant 1 : i32
        %mul3A_108 = arith.muli %scan3A_106, %mul3A_107 : i32
        %add3A_109 = arith.constant 0 : i32
        %add3A_110 = arith.addi %add3A_109, %mul3A_108 : i32
        %mul3A_111 = arith.constant 2 : i32
        %mul3A_112 = arith.muli %add3A_110, %mul3A_111 : i32
        %dma_wait3A_113 = arith.constant 0 : i32
        %dma_wait3A_114 = tpu.memref_slice %arg2[%dma_wait3A_113] : memref<4816896xi32, #tpu.memory_space<hbm>> -> memref<1536xi32, #tpu.memory_space<hbm>>
        %dma_wait3A_115 = arith.constant 0 : i32
        %dma_wait3A_116 = tpu.memref_slice %arg2[%dma_wait3A_115] : memref<4816896xi32, #tpu.memory_space<hbm>> -> memref<1536xi32, #tpu.memory_space<hbm>>
        tpu.wait_dma2 semaphore(%arg12 : memref<!tpu.dma_semaphore, #tpu.memory_space<semaphore_mem>>) src(%dma_wait3A_116 : memref<1536xi32, #tpu.memory_space<hbm>>) dst(%arg7 : memref<1536xi32, #tpu.memory_space<vmem>>)
        %dma_wait3A_117 = arith.constant 0 : i32
        %dma_wait3A_118 = tpu.memref_slice %arg3[%dma_wait3A_117] : memref<4816896xf32, #tpu.memory_space<hbm>> -> memref<1536xf32, #tpu.memory_space<hbm>>
        %dma_wait3A_119 = arith.constant 0 : i32
        %dma_wait3A_120 = tpu.memref_slice %arg3[%dma_wait3A_119] : memref<4816896xf32, #tpu.memory_space<hbm>> -> memref<1536xf32, #tpu.memory_space<hbm>>
        tpu.wait_dma2 semaphore(%arg14 : memref<!tpu.dma_semaphore, #tpu.memory_space<semaphore_mem>>) src(%dma_wait3A_120 : memref<1536xf32, #tpu.memory_space<hbm>>) dst(%arg9 : memref<1536xf32, #tpu.memory_space<vmem>>)
        %scan3A_121 = arith.constant 0 : i32
        %scan3A_122 = arith.constant 96 : i32
        %scan3A_123 = arith.addi %scan3A_121, %scan3A_122 : i32
        %scan3A_124 = arith.constant 1 : i32
        scf.for %scan3A_159 = %scan3A_121 to %scan3A_123 step %scan3A_124  : i32 {
          %mul3A_160 = arith.constant 1 : i32
          %mul3A_161 = arith.muli %scan3A_159, %mul3A_160 : i32
          %add3A_162 = arith.constant 0 : i32
          %add3A_163 = arith.addi %add3A_162, %mul3A_161 : i32
          %mul3A_164 = arith.constant 16 : i32
          %mul3A_165 = arith.muli %add3A_163, %mul3A_164 : i32
          %get3A = arith.index_cast %mul3A_165 : i32 to index
          %get3A_166 = tpu.vector_load %arg7[%get3A] {strides = array<i32>} : memref<1536xi32, #tpu.memory_space<vmem>>, vector<16xi32>,
          %get3A_167 = vector.shape_cast %get3A_166 : vector<16xi32> to vector<16xi32>
          %sub3A_168 = vector.broadcast %mul3A_50 : i32 to vector<16xi32>
          %sub3A_169 = arith.subi %get3A_167, %sub3A_168 : vector<16xi32>
          %bitcast3A = vector.bitcast %sub3A_169 : vector<16xi32> to vector<16xi32>
          %lt3A_170 = arith.constant 1949696 : i32
          %lt3A_171 = vector.broadcast %lt3A_170 : i32 to vector<16xi32>
          %lt3A_172 = arith.cmpi ult, %bitcast3A, %lt3A_171 : vector<16xi32>
          %and3A_173 = arith.constant 16383 : i32
          %and3A_174 = vector.broadcast %and3A_173 : i32 to vector<16xi32>
          %and3A_175 = arith.andi %get3A_167, %and3A_174 : vector<16xi32>
          %add3A_176 = arith.constant 1949696 : i32
          %add3A_177 = vector.broadcast %add3A_176 : i32 to vector<16xi32>
          %add3A_178 = arith.addi %add3A_177, %and3A_175 : vector<16xi32>
          %select_n3A_179 = arith.select %lt3A_172, %sub3A_169, %add3A_178 : vector<16xi1>, vector<16xi32>
          %mul3A_180 = arith.constant 16 : i32
          %mul3A_181 = arith.muli %add3A_163, %mul3A_180 : i32
          %swap3A = arith.index_cast %mul3A_181 : i32 to index
          %swap3A_182 = tpu.vector_load %arg11[%swap3A] {strides = array<i32>} : memref<1536xi32, #tpu.memory_space<vmem>>, vector<16xi32>,
          %swap3A_183 = vector.shape_cast %swap3A_182 : vector<16xi32> to vector<16xi32>
          %swap3A_184 = vector.shape_cast %select_n3A_179 : vector<16xi32> to vector<16xi32>
          tpu.vector_store %arg11[%swap3A], %swap3A_184 {strides = array<i32>} : memref<1536xi32, #tpu.memory_space<vmem>>, vector<16xi32>,
        }
        %scan3A_125 = arith.constant 96 : i32
        "tpu.region"() ({
          %run_scoped3A = tpu.sem_alloc : memref<!tpu.dma_semaphore, #tpu.memory_space<semaphore_mem>>
          %dma_start3A_159 = arith.constant 0 : i32
          %dma_start3A_160 = tpu.memref_slice %arg6[%dma_start3A_159] : memref<1966080xf32, #tpu.memory_space<vmem_shared>> -> memref<1966080xf32, #tpu.memory_space<vmem_shared>>
          tpu.enqueue_indirect_dma source(%arg9 : memref<1536xf32, #tpu.memory_space<vmem>>) target(%dma_start3A_160 : memref<1966080xf32, #tpu.memory_space<vmem_shared>>) offsets(%arg11 : memref<1536xi32, #tpu.memory_space<vmem>>) semaphore(%run_scoped3A : memref<!tpu.dma_semaphore, #tpu.memory_space<semaphore_mem>>) {add = true}
          %dma_wait3A_161 = arith.constant 0 : i32
          %dma_wait3A_162 = tpu.memref_slice %arg6[%dma_wait3A_161] : memref<1966080xf32, #tpu.memory_space<vmem_shared>> -> memref<1966080xf32, #tpu.memory_space<vmem_shared>>
          tpu.wait_indirect_dma semaphore(%run_scoped3A : memref<!tpu.dma_semaphore, #tpu.memory_space<semaphore_mem>>) src(%arg9 : memref<1536xf32, #tpu.memory_space<vmem>>) dst(%dma_wait3A_162 : memref<1966080xf32, #tpu.memory_space<vmem_shared>>)
          tpu.yield
        }) : () -> ()
        %add3A_126 = arith.constant 2 : i32
        %add3A_127 = arith.addi %mul3A_112, %add3A_126 : i32
        %mul3A_128 = arith.constant 1536 : i32
        %mul3A_129 = arith.muli %add3A_127, %mul3A_128 : i32
        %add3A_130 = arith.addi %add3A_48, %mul3A_129 : i32
        %multiple_of3A_131 = tpu.assume_multiple %add3A_130, 8 : i32
        %dma_start3A_132 = tpu.memref_slice %arg2[%multiple_of3A_131] : memref<4816896xi32, #tpu.memory_space<hbm>> -> memref<1536xi32, #tpu.memory_space<hbm>>
        %dma_start3A_133 = tpu.memref_slice %arg2[%multiple_of3A_131] : memref<4816896xi32, #tpu.memory_space<hbm>> -> memref<1536xi32, #tpu.memory_space<hbm>>
        tpu.enqueue_dma source(%dma_start3A_133 : memref<1536xi32, #tpu.memory_space<hbm>>) target(%arg7 : memref<1536xi32, #tpu.memory_space<vmem>>) target_semaphore(%arg12 : memref<!tpu.dma_semaphore, #tpu.memory_space<semaphore_mem>>)
        %dma_start3A_134 = tpu.memref_slice %arg3[%multiple_of3A_131] : memref<4816896xf32, #tpu.memory_space<hbm>> -> memref<1536xf32, #tpu.memory_space<hbm>>
        %dma_start3A_135 = tpu.memref_slice %arg3[%multiple_of3A_131] : memref<4816896xf32, #tpu.memory_space<hbm>> -> memref<1536xf32, #tpu.memory_space<hbm>>
        tpu.enqueue_dma source(%dma_start3A_135 : memref<1536xf32, #tpu.memory_space<hbm>>) target(%arg9 : memref<1536xf32, #tpu.memory_space<vmem>>) target_semaphore(%arg14 : memref<!tpu.dma_semaphore, #tpu.memory_space<semaphore_mem>>)
        %dma_wait3A_136 = arith.constant 0 : i32
        %dma_wait3A_137 = tpu.memref_slice %arg2[%dma_wait3A_136] : memref<4816896xi32, #tpu.memory_space<hbm>> -> memref<1536xi32, #tpu.memory_space<hbm>>
        %dma_wait3A_138 = arith.constant 0 : i32
        %dma_wait3A_139 = tpu.memref_slice %arg2[%dma_wait3A_138] : memref<4816896xi32, #tpu.memory_space<hbm>> -> memref<1536xi32, #tpu.memory_space<hbm>>
        tpu.wait_dma2 semaphore(%arg13 : memref<!tpu.dma_semaphore, #tpu.memory_space<semaphore_mem>>) src(%dma_wait3A_139 : memref<1536xi32, #tpu.memory_space<hbm>>) dst(%arg8 : memref<1536xi32, #tpu.memory_space<vmem>>)
        %dma_wait3A_140 = arith.constant 0 : i32
        %dma_wait3A_141 = tpu.memref_slice %arg3[%dma_wait3A_140] : memref<4816896xf32, #tpu.memory_space<hbm>> -> memref<1536xf32, #tpu.memory_space<hbm>>
        %dma_wait3A_142 = arith.constant 0 : i32
        %dma_wait3A_143 = tpu.memref_slice %arg3[%dma_wait3A_142] : memref<4816896xf32, #tpu.memory_space<hbm>> -> memref<1536xf32, #tpu.memory_space<hbm>>
        tpu.wait_dma2 semaphore(%arg15 : memref<!tpu.dma_semaphore, #tpu.memory_space<semaphore_mem>>) src(%dma_wait3A_143 : memref<1536xf32, #tpu.memory_space<hbm>>) dst(%arg10 : memref<1536xf32, #tpu.memory_space<vmem>>)
        %scan3A_144 = arith.constant 0 : i32
        %scan3A_145 = arith.constant 96 : i32
        %scan3A_146 = arith.addi %scan3A_144, %scan3A_145 : i32
        %scan3A_147 = arith.constant 1 : i32
        scf.for %scan3A_159 = %scan3A_144 to %scan3A_146 step %scan3A_147  : i32 {
          %mul3A_160 = arith.constant 1 : i32
          %mul3A_161 = arith.muli %scan3A_159, %mul3A_160 : i32
          %add3A_162 = arith.constant 0 : i32
          %add3A_163 = arith.addi %add3A_162, %mul3A_161 : i32
          %mul3A_164 = arith.constant 16 : i32
          %mul3A_165 = arith.muli %add3A_163, %mul3A_164 : i32
          %get3A = arith.index_cast %mul3A_165 : i32 to index
          %get3A_166 = tpu.vector_load %arg8[%get3A] {strides = array<i32>} : memref<1536xi32, #tpu.memory_space<vmem>>, vector<16xi32>,
          %get3A_167 = vector.shape_cast %get3A_166 : vector<16xi32> to vector<16xi32>
          %sub3A_168 = vector.broadcast %mul3A_50 : i32 to vector<16xi32>
          %sub3A_169 = arith.subi %get3A_167, %sub3A_168 : vector<16xi32>
          %bitcast3A = vector.bitcast %sub3A_169 : vector<16xi32> to vector<16xi32>
          %lt3A_170 = arith.constant 1949696 : i32
          %lt3A_171 = vector.broadcast %lt3A_170 : i32 to vector<16xi32>
          %lt3A_172 = arith.cmpi ult, %bitcast3A, %lt3A_171 : vector<16xi32>
          %and3A_173 = arith.constant 16383 : i32
          %and3A_174 = vector.broadcast %and3A_173 : i32 to vector<16xi32>
          %and3A_175 = arith.andi %get3A_167, %and3A_174 : vector<16xi32>
          %add3A_176 = arith.constant 1949696 : i32
          %add3A_177 = vector.broadcast %add3A_176 : i32 to vector<16xi32>
          %add3A_178 = arith.addi %add3A_177, %and3A_175 : vector<16xi32>
          %select_n3A_179 = arith.select %lt3A_172, %sub3A_169, %add3A_178 : vector<16xi1>, vector<16xi32>
          %mul3A_180 = arith.constant 16 : i32
          %mul3A_181 = arith.muli %add3A_163, %mul3A_180 : i32
          %swap3A = arith.index_cast %mul3A_181 : i32 to index
          %swap3A_182 = tpu.vector_load %arg11[%swap3A] {strides = array<i32>} : memref<1536xi32, #tpu.memory_space<vmem>>, vector<16xi32>,
          %swap3A_183 = vector.shape_cast %swap3A_182 : vector<16xi32> to vector<16xi32>
          %swap3A_184 = vector.shape_cast %select_n3A_179 : vector<16xi32> to vector<16xi32>
          tpu.vector_store %arg11[%swap3A], %swap3A_184 {strides = array<i32>} : memref<1536xi32, #tpu.memory_space<vmem>>, vector<16xi32>,
        }
        %scan3A_148 = arith.constant 96 : i32
        "tpu.region"() ({
          %run_scoped3A = tpu.sem_alloc : memref<!tpu.dma_semaphore, #tpu.memory_space<semaphore_mem>>
          %dma_start3A_159 = arith.constant 0 : i32
          %dma_start3A_160 = tpu.memref_slice %arg6[%dma_start3A_159] : memref<1966080xf32, #tpu.memory_space<vmem_shared>> -> memref<1966080xf32, #tpu.memory_space<vmem_shared>>
          tpu.enqueue_indirect_dma source(%arg10 : memref<1536xf32, #tpu.memory_space<vmem>>) target(%dma_start3A_160 : memref<1966080xf32, #tpu.memory_space<vmem_shared>>) offsets(%arg11 : memref<1536xi32, #tpu.memory_space<vmem>>) semaphore(%run_scoped3A : memref<!tpu.dma_semaphore, #tpu.memory_space<semaphore_mem>>) {add = true}
          %dma_wait3A_161 = arith.constant 0 : i32
          %dma_wait3A_162 = tpu.memref_slice %arg6[%dma_wait3A_161] : memref<1966080xf32, #tpu.memory_space<vmem_shared>> -> memref<1966080xf32, #tpu.memory_space<vmem_shared>>
          tpu.wait_indirect_dma semaphore(%run_scoped3A : memref<!tpu.dma_semaphore, #tpu.memory_space<semaphore_mem>>) src(%arg10 : memref<1536xf32, #tpu.memory_space<vmem>>) dst(%dma_wait3A_162 : memref<1966080xf32, #tpu.memory_space<vmem_shared>>)
          tpu.yield
        }) : () -> ()
        %add3A_149 = arith.constant 3 : i32
        %add3A_150 = arith.addi %mul3A_112, %add3A_149 : i32
        %mul3A_151 = arith.constant 1536 : i32
        %mul3A_152 = arith.muli %add3A_150, %mul3A_151 : i32
        %add3A_153 = arith.addi %add3A_48, %mul3A_152 : i32
        %multiple_of3A_154 = tpu.assume_multiple %add3A_153, 8 : i32
        %dma_start3A_155 = tpu.memref_slice %arg2[%multiple_of3A_154] : memref<4816896xi32, #tpu.memory_space<hbm>> -> memref<1536xi32, #tpu.memory_space<hbm>>
        %dma_start3A_156 = tpu.memref_slice %arg2[%multiple_of3A_154] : memref<4816896xi32, #tpu.memory_space<hbm>> -> memref<1536xi32, #tpu.memory_space<hbm>>
        tpu.enqueue_dma source(%dma_start3A_156 : memref<1536xi32, #tpu.memory_space<hbm>>) target(%arg8 : memref<1536xi32, #tpu.memory_space<vmem>>) target_semaphore(%arg13 : memref<!tpu.dma_semaphore, #tpu.memory_space<semaphore_mem>>)
        %dma_start3A_157 = tpu.memref_slice %arg3[%multiple_of3A_154] : memref<4816896xf32, #tpu.memory_space<hbm>> -> memref<1536xf32, #tpu.memory_space<hbm>>
        %dma_start3A_158 = tpu.memref_slice %arg3[%multiple_of3A_154] : memref<4816896xf32, #tpu.memory_space<hbm>> -> memref<1536xf32, #tpu.memory_space<hbm>>
        tpu.enqueue_dma source(%dma_start3A_158 : memref<1536xf32, #tpu.memory_space<hbm>>) target(%arg10 : memref<1536xf32, #tpu.memory_space<vmem>>) target_semaphore(%arg15 : memref<!tpu.dma_semaphore, #tpu.memory_space<semaphore_mem>>)
      }
      %scan3A_70 = arith.constant 48 : i32
      %dma_wait3A = arith.constant 0 : i32
      %dma_wait3A_71 = tpu.memref_slice %arg2[%dma_wait3A] : memref<4816896xi32, #tpu.memory_space<hbm>> -> memref<1536xi32, #tpu.memory_space<hbm>>
      %dma_wait3A_72 = arith.constant 0 : i32
      %dma_wait3A_73 = tpu.memref_slice %arg2[%dma_wait3A_72] : memref<4816896xi32, #tpu.memory_space<hbm>> -> memref<1536xi32, #tpu.memory_space<hbm>>
      tpu.wait_dma2 semaphore(%arg12 : memref<!tpu.dma_semaphore, #tpu.memory_space<semaphore_mem>>) src(%dma_wait3A_73 : memref<1536xi32, #tpu.memory_space<hbm>>) dst(%arg7 : memref<1536xi32, #tpu.memory_space<vmem>>)
      %dma_wait3A_74 = arith.constant 0 : i32
      %dma_wait3A_75 = tpu.memref_slice %arg3[%dma_wait3A_74] : memref<4816896xf32, #tpu.memory_space<hbm>> -> memref<1536xf32, #tpu.memory_space<hbm>>
      %dma_wait3A_76 = arith.constant 0 : i32
      %dma_wait3A_77 = tpu.memref_slice %arg3[%dma_wait3A_76] : memref<4816896xf32, #tpu.memory_space<hbm>> -> memref<1536xf32, #tpu.memory_space<hbm>>
      tpu.wait_dma2 semaphore(%arg14 : memref<!tpu.dma_semaphore, #tpu.memory_space<semaphore_mem>>) src(%dma_wait3A_77 : memref<1536xf32, #tpu.memory_space<hbm>>) dst(%arg9 : memref<1536xf32, #tpu.memory_space<vmem>>)
      %scan3A_78 = arith.constant 0 : i32
      %scan3A_79 = arith.constant 96 : i32
      %scan3A_80 = arith.addi %scan3A_78, %scan3A_79 : i32
      %scan3A_81 = arith.constant 1 : i32
      scf.for %scan3A_106 = %scan3A_78 to %scan3A_80 step %scan3A_81  : i32 {
        %mul3A_107 = arith.constant 1 : i32
        %mul3A_108 = arith.muli %scan3A_106, %mul3A_107 : i32
        %add3A_109 = arith.constant 0 : i32
        %add3A_110 = arith.addi %add3A_109, %mul3A_108 : i32
        %mul3A_111 = arith.constant 16 : i32
        %mul3A_112 = arith.muli %add3A_110, %mul3A_111 : i32
        %get3A = arith.index_cast %mul3A_112 : i32 to index
        %get3A_113 = tpu.vector_load %arg7[%get3A] {strides = array<i32>} : memref<1536xi32, #tpu.memory_space<vmem>>, vector<16xi32>,
        %get3A_114 = vector.shape_cast %get3A_113 : vector<16xi32> to vector<16xi32>
        %sub3A_115 = vector.broadcast %mul3A_50 : i32 to vector<16xi32>
        %sub3A_116 = arith.subi %get3A_114, %sub3A_115 : vector<16xi32>
        %bitcast3A = vector.bitcast %sub3A_116 : vector<16xi32> to vector<16xi32>
        %lt3A_117 = arith.constant 1949696 : i32
        %lt3A_118 = vector.broadcast %lt3A_117 : i32 to vector<16xi32>
        %lt3A_119 = arith.cmpi ult, %bitcast3A, %lt3A_118 : vector<16xi32>
        %and3A_120 = arith.constant 16383 : i32
        %and3A_121 = vector.broadcast %and3A_120 : i32 to vector<16xi32>
        %and3A_122 = arith.andi %get3A_114, %and3A_121 : vector<16xi32>
        %add3A_123 = arith.constant 1949696 : i32
        %add3A_124 = vector.broadcast %add3A_123 : i32 to vector<16xi32>
        %add3A_125 = arith.addi %add3A_124, %and3A_122 : vector<16xi32>
        %select_n3A_126 = arith.select %lt3A_119, %sub3A_116, %add3A_125 : vector<16xi1>, vector<16xi32>
        %mul3A_127 = arith.constant 16 : i32
        %mul3A_128 = arith.muli %add3A_110, %mul3A_127 : i32
        %swap3A = arith.index_cast %mul3A_128 : i32 to index
        %swap3A_129 = tpu.vector_load %arg11[%swap3A] {strides = array<i32>} : memref<1536xi32, #tpu.memory_space<vmem>>, vector<16xi32>,
        %swap3A_130 = vector.shape_cast %swap3A_129 : vector<16xi32> to vector<16xi32>
        %swap3A_131 = vector.shape_cast %select_n3A_126 : vector<16xi32> to vector<16xi32>
        tpu.vector_store %arg11[%swap3A], %swap3A_131 {strides = array<i32>} : memref<1536xi32, #tpu.memory_space<vmem>>, vector<16xi32>,
      }
      %scan3A_82 = arith.constant 96 : i32
      "tpu.region"() ({
        %run_scoped3A = tpu.sem_alloc : memref<!tpu.dma_semaphore, #tpu.memory_space<semaphore_mem>>
        %dma_start3A_106 = arith.constant 0 : i32
        %dma_start3A_107 = tpu.memref_slice %arg6[%dma_start3A_106] : memref<1966080xf32, #tpu.memory_space<vmem_shared>> -> memref<1966080xf32, #tpu.memory_space<vmem_shared>>
        tpu.enqueue_indirect_dma source(%arg9 : memref<1536xf32, #tpu.memory_space<vmem>>) target(%dma_start3A_107 : memref<1966080xf32, #tpu.memory_space<vmem_shared>>) offsets(%arg11 : memref<1536xi32, #tpu.memory_space<vmem>>) semaphore(%run_scoped3A : memref<!tpu.dma_semaphore, #tpu.memory_space<semaphore_mem>>) {add = true}
        %dma_wait3A_108 = arith.constant 0 : i32
        %dma_wait3A_109 = tpu.memref_slice %arg6[%dma_wait3A_108] : memref<1966080xf32, #tpu.memory_space<vmem_shared>> -> memref<1966080xf32, #tpu.memory_space<vmem_shared>>
        tpu.wait_indirect_dma semaphore(%run_scoped3A : memref<!tpu.dma_semaphore, #tpu.memory_space<semaphore_mem>>) src(%arg9 : memref<1536xf32, #tpu.memory_space<vmem>>) dst(%dma_wait3A_109 : memref<1966080xf32, #tpu.memory_space<vmem_shared>>)
        tpu.yield
      }) : () -> ()
      %dma_wait3A_83 = arith.constant 0 : i32
      %dma_wait3A_84 = tpu.memref_slice %arg2[%dma_wait3A_83] : memref<4816896xi32, #tpu.memory_space<hbm>> -> memref<1536xi32, #tpu.memory_space<hbm>>
      %dma_wait3A_85 = arith.constant 0 : i32
      %dma_wait3A_86 = tpu.memref_slice %arg2[%dma_wait3A_85] : memref<4816896xi32, #tpu.memory_space<hbm>> -> memref<1536xi32, #tpu.memory_space<hbm>>
      tpu.wait_dma2 semaphore(%arg13 : memref<!tpu.dma_semaphore, #tpu.memory_space<semaphore_mem>>) src(%dma_wait3A_86 : memref<1536xi32, #tpu.memory_space<hbm>>) dst(%arg8 : memref<1536xi32, #tpu.memory_space<vmem>>)
      %dma_wait3A_87 = arith.constant 0 : i32
      %dma_wait3A_88 = tpu.memref_slice %arg3[%dma_wait3A_87] : memref<4816896xf32, #tpu.memory_space<hbm>> -> memref<1536xf32, #tpu.memory_space<hbm>>
      %dma_wait3A_89 = arith.constant 0 : i32
      %dma_wait3A_90 = tpu.memref_slice %arg3[%dma_wait3A_89] : memref<4816896xf32, #tpu.memory_space<hbm>> -> memref<1536xf32, #tpu.memory_space<hbm>>
      tpu.wait_dma2 semaphore(%arg15 : memref<!tpu.dma_semaphore, #tpu.memory_space<semaphore_mem>>) src(%dma_wait3A_90 : memref<1536xf32, #tpu.memory_space<hbm>>) dst(%arg10 : memref<1536xf32, #tpu.memory_space<vmem>>)
      %scan3A_91 = arith.constant 0 : i32
      %scan3A_92 = arith.constant 96 : i32
      %scan3A_93 = arith.addi %scan3A_91, %scan3A_92 : i32
      %scan3A_94 = arith.constant 1 : i32
      scf.for %scan3A_106 = %scan3A_91 to %scan3A_93 step %scan3A_94  : i32 {
        %mul3A_107 = arith.constant 1 : i32
        %mul3A_108 = arith.muli %scan3A_106, %mul3A_107 : i32
        %add3A_109 = arith.constant 0 : i32
        %add3A_110 = arith.addi %add3A_109, %mul3A_108 : i32
        %mul3A_111 = arith.constant 16 : i32
        %mul3A_112 = arith.muli %add3A_110, %mul3A_111 : i32
        %get3A = arith.index_cast %mul3A_112 : i32 to index
        %get3A_113 = tpu.vector_load %arg8[%get3A] {strides = array<i32>} : memref<1536xi32, #tpu.memory_space<vmem>>, vector<16xi32>,
        %get3A_114 = vector.shape_cast %get3A_113 : vector<16xi32> to vector<16xi32>
        %sub3A_115 = vector.broadcast %mul3A_50 : i32 to vector<16xi32>
        %sub3A_116 = arith.subi %get3A_114, %sub3A_115 : vector<16xi32>
        %bitcast3A = vector.bitcast %sub3A_116 : vector<16xi32> to vector<16xi32>
        %lt3A_117 = arith.constant 1949696 : i32
        %lt3A_118 = vector.broadcast %lt3A_117 : i32 to vector<16xi32>
        %lt3A_119 = arith.cmpi ult, %bitcast3A, %lt3A_118 : vector<16xi32>
        %and3A_120 = arith.constant 16383 : i32
        %and3A_121 = vector.broadcast %and3A_120 : i32 to vector<16xi32>
        %and3A_122 = arith.andi %get3A_114, %and3A_121 : vector<16xi32>
        %add3A_123 = arith.constant 1949696 : i32
        %add3A_124 = vector.broadcast %add3A_123 : i32 to vector<16xi32>
        %add3A_125 = arith.addi %add3A_124, %and3A_122 : vector<16xi32>
        %select_n3A_126 = arith.select %lt3A_119, %sub3A_116, %add3A_125 : vector<16xi1>, vector<16xi32>
        %mul3A_127 = arith.constant 16 : i32
        %mul3A_128 = arith.muli %add3A_110, %mul3A_127 : i32
        %swap3A = arith.index_cast %mul3A_128 : i32 to index
        %swap3A_129 = tpu.vector_load %arg11[%swap3A] {strides = array<i32>} : memref<1536xi32, #tpu.memory_space<vmem>>, vector<16xi32>,
        %swap3A_130 = vector.shape_cast %swap3A_129 : vector<16xi32> to vector<16xi32>
        %swap3A_131 = vector.shape_cast %select_n3A_126 : vector<16xi32> to vector<16xi32>
        tpu.vector_store %arg11[%swap3A], %swap3A_131 {strides = array<i32>} : memref<1536xi32, #tpu.memory_space<vmem>>, vector<16xi32>,
      }
      %scan3A_95 = arith.constant 96 : i32
      "tpu.region"() ({
        %run_scoped3A = tpu.sem_alloc : memref<!tpu.dma_semaphore, #tpu.memory_space<semaphore_mem>>
        %dma_start3A_106 = arith.constant 0 : i32
        %dma_start3A_107 = tpu.memref_slice %arg6[%dma_start3A_106] : memref<1966080xf32, #tpu.memory_space<vmem_shared>> -> memref<1966080xf32, #tpu.memory_space<vmem_shared>>
        tpu.enqueue_indirect_dma source(%arg10 : memref<1536xf32, #tpu.memory_space<vmem>>) target(%dma_start3A_107 : memref<1966080xf32, #tpu.memory_space<vmem_shared>>) offsets(%arg11 : memref<1536xi32, #tpu.memory_space<vmem>>) semaphore(%run_scoped3A : memref<!tpu.dma_semaphore, #tpu.memory_space<semaphore_mem>>) {add = true}
        %dma_wait3A_108 = arith.constant 0 : i32
        %dma_wait3A_109 = tpu.memref_slice %arg6[%dma_wait3A_108] : memref<1966080xf32, #tpu.memory_space<vmem_shared>> -> memref<1966080xf32, #tpu.memory_space<vmem_shared>>
        tpu.wait_indirect_dma semaphore(%run_scoped3A : memref<!tpu.dma_semaphore, #tpu.memory_space<semaphore_mem>>) src(%arg10 : memref<1536xf32, #tpu.memory_space<vmem>>) dst(%dma_wait3A_109 : memref<1966080xf32, #tpu.memory_space<vmem_shared>>)
        tpu.yield
      }) : () -> ()
      %barrier3A_96 = arith.constant 0 : index
      tpu.barrier barrier_id(%barrier3A_96)
      %lt3A_97 = arith.constant 4 : i32
      %lt3A_98 = arith.cmpi slt, %select_n3A_41, %lt3A_97 : i32
      %convert_element_type3A = arith.extui %lt3A_98 : i1 to i32
      %cond3A = arith.constant 0 : i32
      %cond3A_99 = arith.cmpi ne, %convert_element_type3A, %cond3A : i32
      scf.if %cond3A_99 {
        %mul3A_106 = arith.constant 121856 : i32
        %mul3A_107 = arith.muli %arg1, %mul3A_106 : i32
        %multiple_of3A_108 = tpu.assume_multiple %mul3A_107, 8 : i32
        %sub3A_109 = arith.constant 0 : i32
        %sub3A_110 = arith.subi %select_n3A, %sub3A_109 : i32
        %mul3A_111 = arith.constant 9633792 : i32
        %mul3A_112 = arith.muli %sub3A_110, %mul3A_111 : i32
        %mul3A_113 = arith.constant 1949696 : i32
        %mul3A_114 = arith.muli %select_n3A_41, %mul3A_113 : i32
        %add3A_115 = arith.addi %mul3A_112, %mul3A_114 : i32
        %mul3A_116 = arith.constant 121856 : i32
        %mul3A_117 = arith.muli %arg1, %mul3A_116 : i32
        %add3A_118 = arith.addi %add3A_115, %mul3A_117 : i32
        %multiple_of3A_119 = tpu.assume_multiple %add3A_118, 8 : i32
        "tpu.region"() ({
          %run_scoped3A = tpu.sem_alloc : memref<!tpu.dma_semaphore, #tpu.memory_space<semaphore_mem>>
          %dma_start3A_120 = tpu.memref_slice %arg5[%multiple_of3A_119] : memref<19267584xf32, #tpu.memory_space<hbm>> -> memref<121856xf32, #tpu.memory_space<hbm>>
          %dma_start3A_121 = tpu.memref_slice %arg6[%multiple_of3A_108] : memref<1966080xf32, #tpu.memory_space<vmem_shared>> -> memref<121856xf32, #tpu.memory_space<vmem_shared>>
          tpu.enqueue_dma source(%dma_start3A_121 : memref<121856xf32, #tpu.memory_space<vmem_shared>>) target(%dma_start3A_120 : memref<121856xf32, #tpu.memory_space<hbm>>) target_semaphore(%run_scoped3A : memref<!tpu.dma_semaphore, #tpu.memory_space<semaphore_mem>>)
          %dma_wait3A_122 = tpu.memref_slice %arg5[%multiple_of3A_119] : memref<19267584xf32, #tpu.memory_space<hbm>> -> memref<121856xf32, #tpu.memory_space<hbm>>
          %dma_wait3A_123 = tpu.memref_slice %arg6[%multiple_of3A_108] : memref<1966080xf32, #tpu.memory_space<vmem_shared>> -> memref<121856xf32, #tpu.memory_space<vmem_shared>>
          tpu.wait_dma2 semaphore(%run_scoped3A : memref<!tpu.dma_semaphore, #tpu.memory_space<semaphore_mem>>) src(%dma_wait3A_123 : memref<121856xf32, #tpu.memory_space<vmem_shared>>) dst(%dma_wait3A_122 : memref<121856xf32, #tpu.memory_space<hbm>>)
          tpu.yield
        }) : () -> ()
      } else {
      }
      %eq3A_100 = arith.constant 4 : i32
      %eq3A_101 = arith.cmpi eq, %select_n3A_41, %eq3A_100 : i32
      %convert_element_type3A_102 = arith.extui %eq3A_101 : i1 to i32
      %cond3A_103 = arith.constant 0 : i32
      %cond3A_104 = arith.cmpi ne, %convert_element_type3A_102, %cond3A_103 : i32
      scf.if %cond3A_104 {
        %mul3A_106 = arith.constant 114688 : i32
        %mul3A_107 = arith.muli %arg1, %mul3A_106 : i32
        %multiple_of3A_108 = tpu.assume_multiple %mul3A_107, 8 : i32
        %sub3A_109 = arith.constant 0 : i32
        %sub3A_110 = arith.subi %select_n3A, %sub3A_109 : i32
        %mul3A_111 = arith.constant 9633792 : i32
        %mul3A_112 = arith.muli %sub3A_110, %mul3A_111 : i32
        %mul3A_113 = arith.constant 1949696 : i32
        %mul3A_114 = arith.muli %select_n3A_41, %mul3A_113 : i32
        %add3A_115 = arith.addi %mul3A_112, %mul3A_114 : i32
        %mul3A_116 = arith.constant 114688 : i32
        %mul3A_117 = arith.muli %arg1, %mul3A_116 : i32
        %add3A_118 = arith.addi %add3A_115, %mul3A_117 : i32
        %multiple_of3A_119 = tpu.assume_multiple %add3A_118, 8 : i32
        "tpu.region"() ({
          %run_scoped3A = tpu.sem_alloc : memref<!tpu.dma_semaphore, #tpu.memory_space<semaphore_mem>>
          %dma_start3A_120 = tpu.memref_slice %arg5[%multiple_of3A_119] : memref<19267584xf32, #tpu.memory_space<hbm>> -> memref<114688xf32, #tpu.memory_space<hbm>>
          %dma_start3A_121 = tpu.memref_slice %arg6[%multiple_of3A_108] : memref<1966080xf32, #tpu.memory_space<vmem_shared>> -> memref<114688xf32, #tpu.memory_space<vmem_shared>>
          tpu.enqueue_dma source(%dma_start3A_121 : memref<114688xf32, #tpu.memory_space<vmem_shared>>) target(%dma_start3A_120 : memref<114688xf32, #tpu.memory_space<hbm>>) target_semaphore(%run_scoped3A : memref<!tpu.dma_semaphore, #tpu.memory_space<semaphore_mem>>)
          %dma_wait3A_122 = tpu.memref_slice %arg5[%multiple_of3A_119] : memref<19267584xf32, #tpu.memory_space<hbm>> -> memref<114688xf32, #tpu.memory_space<hbm>>
          %dma_wait3A_123 = tpu.memref_slice %arg6[%multiple_of3A_108] : memref<1966080xf32, #tpu.memory_space<vmem_shared>> -> memref<114688xf32, #tpu.memory_space<vmem_shared>>
          tpu.wait_dma2 semaphore(%run_scoped3A : memref<!tpu.dma_semaphore, #tpu.memory_space<semaphore_mem>>) src(%dma_wait3A_123 : memref<114688xf32, #tpu.memory_space<vmem_shared>>) dst(%dma_wait3A_122 : memref<114688xf32, #tpu.memory_space<hbm>>)
          tpu.yield
        }) : () -> ()
      } else {
      }
      %barrier3A_105 = arith.constant 0 : index
      tpu.barrier barrier_id(%barrier3A_105)
    }
    %scan3A_3 = arith.constant 5 : i32
    return
  }
}

#map = affine_map<(d0, d1) -> (0)>
module attributes {stable_mosaic.version = 14 : i64} {
  func.func @_sc_scatter(%arg0: i32, %arg1: i32, %arg2: memref<4816896xi32, #tpu.memory_space<hbm>>, %arg3: memref<4816896xf32, #tpu.memory_space<hbm>>, %arg4: memref<1949696xf32, #tpu.memory_space<hbm>>, %arg5: memref<19267584xf32, #tpu.memory_space<hbm>>, %arg6: memref<1966080xf32, #tpu.memory_space<vmem_shared>>, %arg7: memref<1536xi32, #tpu.memory_space<vmem>>, %arg8: memref<1536xi32, #tpu.memory_space<vmem>>, %arg9: memref<1536xf32, #tpu.memory_space<vmem>>, %arg10: memref<1536xf32, #tpu.memory_space<vmem>>, %arg11: memref<1536xi32, #tpu.memory_space<vmem>>, %arg12: memref<!tpu.dma_semaphore, #tpu.memory_space<semaphore_mem>>, %arg13: memref<!tpu.dma_semaphore, #tpu.memory_space<semaphore_mem>>, %arg14: memref<!tpu.dma_semaphore, #tpu.memory_space<semaphore_mem>>, %arg15: memref<!tpu.dma_semaphore, #tpu.memory_space<semaphore_mem>>) attributes {dimension_semantics = [#tpu.dimension_semantics<core_parallel>, #tpu.dimension_semantics<subcore_parallel>], iteration_bounds = array<i64: 2, 16>, scalar_prefetch = 0 : i64, scratch_operands = 10 : i64, tpu.core_type = #tpu.core_type<sc_vector_subcore>, window_params = [{transform_indices = #map}, {transform_indices = #map}, {transform_indices = #map}, {transform_indices = #map}]} {
    %scan3A = arith.constant 0 : i32
    %scan3A_0 = arith.constant 5 : i32
    %scan3A_1 = arith.addi %scan3A, %scan3A_0 : i32
    %scan3A_2 = arith.constant 1 : i32
    scf.for %scan3A_4 = %scan3A to %scan3A_1 step %scan3A_2  : i32 {
      %mul3A = arith.constant 1 : i32
      %mul3A_5 = arith.muli %scan3A_4, %mul3A : i32
      %add3A = arith.constant 0 : i32
      %add3A_6 = arith.addi %add3A, %mul3A_5 : i32
      %mul3A_7 = arith.constant 2 : i32
      %mul3A_8 = arith.muli %add3A_6, %mul3A_7 : i32
      %add3A_9 = arith.constant 10 : i32
      %add3A_10 = arith.addi %add3A_9, %mul3A_8 : i32
      %add3A_11 = arith.addi %add3A_10, %arg0 : i32
      %jit3A = arith.constant 5 : i32
      %div3A = arith.divsi %add3A_11, %jit3A : i32
      %sign3A = arith.constant 0 : i32
      %sign3A_12 = arith.cmpi sgt, %add3A_11, %sign3A : i32
      %sign3A_13 = arith.extui %sign3A_12 : i1 to i32
      %sign3A_14 = arith.constant 0 : i32
      %sign3A_15 = arith.cmpi slt, %add3A_11, %sign3A_14 : i32
      %sign3A_16 = arith.extui %sign3A_15 : i1 to i32
      %sign3A_17 = arith.subi %sign3A_13, %sign3A_16 : i32
      %sign3A_18 = arith.constant 0 : i32
      %sign3A_19 = arith.cmpi sgt, %jit3A, %sign3A_18 : i32
      %sign3A_20 = arith.extui %sign3A_19 : i1 to i32
      %sign3A_21 = arith.constant 0 : i32
      %sign3A_22 = arith.cmpi slt, %jit3A, %sign3A_21 : i32
      %sign3A_23 = arith.extui %sign3A_22 : i1 to i32
      %sign3A_24 = arith.subi %sign3A_20, %sign3A_23 : i32
      %ne3A = arith.cmpi ne, %sign3A_17, %sign3A_24 : i32
      %rem3A = arith.remsi %add3A_11, %jit3A : i32
      %ne3A_25 = arith.constant 0 : i32
      %ne3A_26 = arith.cmpi ne, %rem3A, %ne3A_25 : i32
      %and3A = arith.andi %ne3A, %ne3A_26 : i1
      %sub3A = arith.constant 1 : i32
      %sub3A_27 = arith.subi %div3A, %sub3A : i32
      %select_n3A = arith.select %and3A, %sub3A_27, %div3A : i32
      %jit3A_28 = arith.constant 5 : i32
      %eq3A = arith.constant 0 : i32
      %eq3A_29 = arith.cmpi eq, %jit3A_28, %eq3A : i32
      %jit3A_30 = arith.constant 1 : i32
      %select_n3A_31 = arith.select %eq3A_29, %jit3A_30, %jit3A_28 : i32
      %rem3A_32 = arith.remsi %add3A_11, %select_n3A_31 : i32
      %ne3A_33 = arith.constant 0 : i32
      %ne3A_34 = arith.cmpi ne, %rem3A_32, %ne3A_33 : i32
      %lt3A = arith.constant 0 : i32
      %lt3A_35 = arith.cmpi slt, %rem3A_32, %lt3A : i32
      %lt3A_36 = arith.constant 0 : i32
      %lt3A_37 = arith.cmpi slt, %select_n3A_31, %lt3A_36 : i32
      %ne3A_38 = arith.xori %lt3A_35, %lt3A_37 : i1
      %and3A_39 = arith.andi %ne3A_38, %ne3A_34 : i1
      %add3A_40 = arith.addi %rem3A_32, %select_n3A_31 : i32
      %select_n3A_41 = arith.select %and3A_39, %add3A_40, %rem3A_32 : i32
      %sub3A_42 = arith.constant 2 : i32
      %sub3A_43 = arith.subi %select_n3A, %sub3A_42 : i32
      %mul3A_44 = arith.constant 2408448 : i32
      %mul3A_45 = arith.muli %sub3A_43, %mul3A_44 : i32
      %mul3A_46 = arith.constant 150528 : i32
      %mul3A_47 = arith.muli %arg1, %mul3A_46 : i32
      %add3A_48 = arith.addi %mul3A_45, %mul3A_47 : i32
      %mul3A_49 = arith.constant 1949696 : i32
      %mul3A_50 = arith.muli %select_n3A_41, %mul3A_49 : i32
      %mul3A_51 = arith.constant 121856 : i32
      %mul3A_52 = arith.muli %arg1, %mul3A_51 : i32
      %multiple_of3A = tpu.assume_multiple %mul3A_52, 8 : i32
      "tpu.region"() ({
        %run_scoped3A = tpu.sem_alloc : memref<!tpu.dma_semaphore, #tpu.memory_space<semaphore_mem>>
        %dma_start3A_106 = tpu.memref_slice %arg6[%multiple_of3A] : memref<1966080xf32, #tpu.memory_space<vmem_shared>> -> memref<121856xf32, #tpu.memory_space<vmem_shared>>
        %dma_start3A_107 = tpu.memref_slice %arg4[%multiple_of3A] : memref<1949696xf32, #tpu.memory_space<hbm>> -> memref<121856xf32, #tpu.memory_space<hbm>>
        tpu.enqueue_dma source(%dma_start3A_107 : memref<121856xf32, #tpu.memory_space<hbm>>) target(%dma_start3A_106 : memref<121856xf32, #tpu.memory_space<vmem_shared>>) target_semaphore(%run_scoped3A : memref<!tpu.dma_semaphore, #tpu.memory_space<semaphore_mem>>)
        %dma_wait3A_108 = tpu.memref_slice %arg6[%multiple_of3A] : memref<1966080xf32, #tpu.memory_space<vmem_shared>> -> memref<121856xf32, #tpu.memory_space<vmem_shared>>
        %dma_wait3A_109 = tpu.memref_slice %arg4[%multiple_of3A] : memref<1949696xf32, #tpu.memory_space<hbm>> -> memref<121856xf32, #tpu.memory_space<hbm>>
        tpu.wait_dma2 semaphore(%run_scoped3A : memref<!tpu.dma_semaphore, #tpu.memory_space<semaphore_mem>>) src(%dma_wait3A_109 : memref<121856xf32, #tpu.memory_space<hbm>>) dst(%dma_wait3A_108 : memref<121856xf32, #tpu.memory_space<vmem_shared>>)
        tpu.yield
      }) : () -> ()
      %barrier3A = arith.constant 0 : index
      tpu.barrier barrier_id(%barrier3A)
      %add3A_53 = arith.constant 0 : i32
      %add3A_54 = arith.addi %add3A_48, %add3A_53 : i32
      %multiple_of3A_55 = tpu.assume_multiple %add3A_54, 8 : i32
      %dma_start3A = tpu.memref_slice %arg2[%multiple_of3A_55] : memref<4816896xi32, #tpu.memory_space<hbm>> -> memref<1536xi32, #tpu.memory_space<hbm>>
      %dma_start3A_56 = tpu.memref_slice %arg2[%multiple_of3A_55] : memref<4816896xi32, #tpu.memory_space<hbm>> -> memref<1536xi32, #tpu.memory_space<hbm>>
      tpu.enqueue_dma source(%dma_start3A_56 : memref<1536xi32, #tpu.memory_space<hbm>>) target(%arg7 : memref<1536xi32, #tpu.memory_space<vmem>>) target_semaphore(%arg12 : memref<!tpu.dma_semaphore, #tpu.memory_space<semaphore_mem>>)
      %dma_start3A_57 = tpu.memref_slice %arg3[%multiple_of3A_55] : memref<4816896xf32, #tpu.memory_space<hbm>> -> memref<1536xf32, #tpu.memory_space<hbm>>
      %dma_start3A_58 = tpu.memref_slice %arg3[%multiple_of3A_55] : memref<4816896xf32, #tpu.memory_space<hbm>> -> memref<1536xf32, #tpu.memory_space<hbm>>
      tpu.enqueue_dma source(%dma_start3A_58 : memref<1536xf32, #tpu.memory_space<hbm>>) target(%arg9 : memref<1536xf32, #tpu.memory_space<vmem>>) target_semaphore(%arg14 : memref<!tpu.dma_semaphore, #tpu.memory_space<semaphore_mem>>)
      %add3A_59 = arith.constant 1536 : i32
      %add3A_60 = arith.addi %add3A_48, %add3A_59 : i32
      %multiple_of3A_61 = tpu.assume_multiple %add3A_60, 8 : i32
      %dma_start3A_62 = tpu.memref_slice %arg2[%multiple_of3A_61] : memref<4816896xi32, #tpu.memory_space<hbm>> -> memref<1536xi32, #tpu.memory_space<hbm>>
      %dma_start3A_63 = tpu.memref_slice %arg2[%multiple_of3A_61] : memref<4816896xi32, #tpu.memory_space<hbm>> -> memref<1536xi32, #tpu.memory_space<hbm>>
      tpu.enqueue_dma source(%dma_start3A_63 : memref<1536xi32, #tpu.memory_space<hbm>>) target(%arg8 : memref<1536xi32, #tpu.memory_space<vmem>>) target_semaphore(%arg13 : memref<!tpu.dma_semaphore, #tpu.memory_space<semaphore_mem>>)
      %dma_start3A_64 = tpu.memref_slice %arg3[%multiple_of3A_61] : memref<4816896xf32, #tpu.memory_space<hbm>> -> memref<1536xf32, #tpu.memory_space<hbm>>
      %dma_start3A_65 = tpu.memref_slice %arg3[%multiple_of3A_61] : memref<4816896xf32, #tpu.memory_space<hbm>> -> memref<1536xf32, #tpu.memory_space<hbm>>
      tpu.enqueue_dma source(%dma_start3A_65 : memref<1536xf32, #tpu.memory_space<hbm>>) target(%arg10 : memref<1536xf32, #tpu.memory_space<vmem>>) target_semaphore(%arg15 : memref<!tpu.dma_semaphore, #tpu.memory_space<semaphore_mem>>)
      %scan3A_66 = arith.constant 0 : i32
      %scan3A_67 = arith.constant 48 : i32
      %scan3A_68 = arith.addi %scan3A_66, %scan3A_67 : i32
      %scan3A_69 = arith.constant 1 : i32
      scf.for %scan3A_106 = %scan3A_66 to %scan3A_68 step %scan3A_69  : i32 {
        %mul3A_107 = arith.constant 1 : i32
        %mul3A_108 = arith.muli %scan3A_106, %mul3A_107 : i32
        %add3A_109 = arith.constant 0 : i32
        %add3A_110 = arith.addi %add3A_109, %mul3A_108 : i32
        %mul3A_111 = arith.constant 2 : i32
        %mul3A_112 = arith.muli %add3A_110, %mul3A_111 : i32
        %dma_wait3A_113 = arith.constant 0 : i32
        %dma_wait3A_114 = tpu.memref_slice %arg2[%dma_wait3A_113] : memref<4816896xi32, #tpu.memory_space<hbm>> -> memref<1536xi32, #tpu.memory_space<hbm>>
        %dma_wait3A_115 = arith.constant 0 : i32
        %dma_wait3A_116 = tpu.memref_slice %arg2[%dma_wait3A_115] : memref<4816896xi32, #tpu.memory_space<hbm>> -> memref<1536xi32, #tpu.memory_space<hbm>>
        tpu.wait_dma2 semaphore(%arg12 : memref<!tpu.dma_semaphore, #tpu.memory_space<semaphore_mem>>) src(%dma_wait3A_116 : memref<1536xi32, #tpu.memory_space<hbm>>) dst(%arg7 : memref<1536xi32, #tpu.memory_space<vmem>>)
        %dma_wait3A_117 = arith.constant 0 : i32
        %dma_wait3A_118 = tpu.memref_slice %arg3[%dma_wait3A_117] : memref<4816896xf32, #tpu.memory_space<hbm>> -> memref<1536xf32, #tpu.memory_space<hbm>>
        %dma_wait3A_119 = arith.constant 0 : i32
        %dma_wait3A_120 = tpu.memref_slice %arg3[%dma_wait3A_119] : memref<4816896xf32, #tpu.memory_space<hbm>> -> memref<1536xf32, #tpu.memory_space<hbm>>
        tpu.wait_dma2 semaphore(%arg14 : memref<!tpu.dma_semaphore, #tpu.memory_space<semaphore_mem>>) src(%dma_wait3A_120 : memref<1536xf32, #tpu.memory_space<hbm>>) dst(%arg9 : memref<1536xf32, #tpu.memory_space<vmem>>)
        %scan3A_121 = arith.constant 0 : i32
        %scan3A_122 = arith.constant 96 : i32
        %scan3A_123 = arith.addi %scan3A_121, %scan3A_122 : i32
        %scan3A_124 = arith.constant 1 : i32
        scf.for %scan3A_159 = %scan3A_121 to %scan3A_123 step %scan3A_124  : i32 {
          %mul3A_160 = arith.constant 1 : i32
          %mul3A_161 = arith.muli %scan3A_159, %mul3A_160 : i32
          %add3A_162 = arith.constant 0 : i32
          %add3A_163 = arith.addi %add3A_162, %mul3A_161 : i32
          %mul3A_164 = arith.constant 16 : i32
          %mul3A_165 = arith.muli %add3A_163, %mul3A_164 : i32
          %get3A = arith.index_cast %mul3A_165 : i32 to index
          %get3A_166 = tpu.vector_load %arg7[%get3A] {strides = array<i32>} : memref<1536xi32, #tpu.memory_space<vmem>>, vector<16xi32>,
          %get3A_167 = vector.shape_cast %get3A_166 : vector<16xi32> to vector<16xi32>
          %sub3A_168 = vector.broadcast %mul3A_50 : i32 to vector<16xi32>
          %sub3A_169 = arith.subi %get3A_167, %sub3A_168 : vector<16xi32>
          %bitcast3A = vector.bitcast %sub3A_169 : vector<16xi32> to vector<16xi32>
          %lt3A_170 = arith.constant 1949696 : i32
          %lt3A_171 = vector.broadcast %lt3A_170 : i32 to vector<16xi32>
          %lt3A_172 = arith.cmpi ult, %bitcast3A, %lt3A_171 : vector<16xi32>
          %and3A_173 = arith.constant 16383 : i32
          %and3A_174 = vector.broadcast %and3A_173 : i32 to vector<16xi32>
          %and3A_175 = arith.andi %get3A_167, %and3A_174 : vector<16xi32>
          %add3A_176 = arith.constant 1949696 : i32
          %add3A_177 = vector.broadcast %add3A_176 : i32 to vector<16xi32>
          %add3A_178 = arith.addi %add3A_177, %and3A_175 : vector<16xi32>
          %select_n3A_179 = arith.select %lt3A_172, %sub3A_169, %add3A_178 : vector<16xi1>, vector<16xi32>
          %mul3A_180 = arith.constant 16 : i32
          %mul3A_181 = arith.muli %add3A_163, %mul3A_180 : i32
          %swap3A = arith.index_cast %mul3A_181 : i32 to index
          %swap3A_182 = tpu.vector_load %arg11[%swap3A] {strides = array<i32>} : memref<1536xi32, #tpu.memory_space<vmem>>, vector<16xi32>,
          %swap3A_183 = vector.shape_cast %swap3A_182 : vector<16xi32> to vector<16xi32>
          %swap3A_184 = vector.shape_cast %select_n3A_179 : vector<16xi32> to vector<16xi32>
          tpu.vector_store %arg11[%swap3A], %swap3A_184 {strides = array<i32>} : memref<1536xi32, #tpu.memory_space<vmem>>, vector<16xi32>,
        }
        %scan3A_125 = arith.constant 96 : i32
        "tpu.region"() ({
          %run_scoped3A = tpu.sem_alloc : memref<!tpu.dma_semaphore, #tpu.memory_space<semaphore_mem>>
          %dma_start3A_159 = arith.constant 0 : i32
          %dma_start3A_160 = tpu.memref_slice %arg6[%dma_start3A_159] : memref<1966080xf32, #tpu.memory_space<vmem_shared>> -> memref<1966080xf32, #tpu.memory_space<vmem_shared>>
          tpu.enqueue_indirect_dma source(%arg9 : memref<1536xf32, #tpu.memory_space<vmem>>) target(%dma_start3A_160 : memref<1966080xf32, #tpu.memory_space<vmem_shared>>) offsets(%arg11 : memref<1536xi32, #tpu.memory_space<vmem>>) semaphore(%run_scoped3A : memref<!tpu.dma_semaphore, #tpu.memory_space<semaphore_mem>>) {add = true}
          %dma_wait3A_161 = arith.constant 0 : i32
          %dma_wait3A_162 = tpu.memref_slice %arg6[%dma_wait3A_161] : memref<1966080xf32, #tpu.memory_space<vmem_shared>> -> memref<1966080xf32, #tpu.memory_space<vmem_shared>>
          tpu.wait_indirect_dma semaphore(%run_scoped3A : memref<!tpu.dma_semaphore, #tpu.memory_space<semaphore_mem>>) src(%arg9 : memref<1536xf32, #tpu.memory_space<vmem>>) dst(%dma_wait3A_162 : memref<1966080xf32, #tpu.memory_space<vmem_shared>>)
          tpu.yield
        }) : () -> ()
        %add3A_126 = arith.constant 2 : i32
        %add3A_127 = arith.addi %mul3A_112, %add3A_126 : i32
        %mul3A_128 = arith.constant 1536 : i32
        %mul3A_129 = arith.muli %add3A_127, %mul3A_128 : i32
        %add3A_130 = arith.addi %add3A_48, %mul3A_129 : i32
        %multiple_of3A_131 = tpu.assume_multiple %add3A_130, 8 : i32
        %dma_start3A_132 = tpu.memref_slice %arg2[%multiple_of3A_131] : memref<4816896xi32, #tpu.memory_space<hbm>> -> memref<1536xi32, #tpu.memory_space<hbm>>
        %dma_start3A_133 = tpu.memref_slice %arg2[%multiple_of3A_131] : memref<4816896xi32, #tpu.memory_space<hbm>> -> memref<1536xi32, #tpu.memory_space<hbm>>
        tpu.enqueue_dma source(%dma_start3A_133 : memref<1536xi32, #tpu.memory_space<hbm>>) target(%arg7 : memref<1536xi32, #tpu.memory_space<vmem>>) target_semaphore(%arg12 : memref<!tpu.dma_semaphore, #tpu.memory_space<semaphore_mem>>)
        %dma_start3A_134 = tpu.memref_slice %arg3[%multiple_of3A_131] : memref<4816896xf32, #tpu.memory_space<hbm>> -> memref<1536xf32, #tpu.memory_space<hbm>>
        %dma_start3A_135 = tpu.memref_slice %arg3[%multiple_of3A_131] : memref<4816896xf32, #tpu.memory_space<hbm>> -> memref<1536xf32, #tpu.memory_space<hbm>>
        tpu.enqueue_dma source(%dma_start3A_135 : memref<1536xf32, #tpu.memory_space<hbm>>) target(%arg9 : memref<1536xf32, #tpu.memory_space<vmem>>) target_semaphore(%arg14 : memref<!tpu.dma_semaphore, #tpu.memory_space<semaphore_mem>>)
        %dma_wait3A_136 = arith.constant 0 : i32
        %dma_wait3A_137 = tpu.memref_slice %arg2[%dma_wait3A_136] : memref<4816896xi32, #tpu.memory_space<hbm>> -> memref<1536xi32, #tpu.memory_space<hbm>>
        %dma_wait3A_138 = arith.constant 0 : i32
        %dma_wait3A_139 = tpu.memref_slice %arg2[%dma_wait3A_138] : memref<4816896xi32, #tpu.memory_space<hbm>> -> memref<1536xi32, #tpu.memory_space<hbm>>
        tpu.wait_dma2 semaphore(%arg13 : memref<!tpu.dma_semaphore, #tpu.memory_space<semaphore_mem>>) src(%dma_wait3A_139 : memref<1536xi32, #tpu.memory_space<hbm>>) dst(%arg8 : memref<1536xi32, #tpu.memory_space<vmem>>)
        %dma_wait3A_140 = arith.constant 0 : i32
        %dma_wait3A_141 = tpu.memref_slice %arg3[%dma_wait3A_140] : memref<4816896xf32, #tpu.memory_space<hbm>> -> memref<1536xf32, #tpu.memory_space<hbm>>
        %dma_wait3A_142 = arith.constant 0 : i32
        %dma_wait3A_143 = tpu.memref_slice %arg3[%dma_wait3A_142] : memref<4816896xf32, #tpu.memory_space<hbm>> -> memref<1536xf32, #tpu.memory_space<hbm>>
        tpu.wait_dma2 semaphore(%arg15 : memref<!tpu.dma_semaphore, #tpu.memory_space<semaphore_mem>>) src(%dma_wait3A_143 : memref<1536xf32, #tpu.memory_space<hbm>>) dst(%arg10 : memref<1536xf32, #tpu.memory_space<vmem>>)
        %scan3A_144 = arith.constant 0 : i32
        %scan3A_145 = arith.constant 96 : i32
        %scan3A_146 = arith.addi %scan3A_144, %scan3A_145 : i32
        %scan3A_147 = arith.constant 1 : i32
        scf.for %scan3A_159 = %scan3A_144 to %scan3A_146 step %scan3A_147  : i32 {
          %mul3A_160 = arith.constant 1 : i32
          %mul3A_161 = arith.muli %scan3A_159, %mul3A_160 : i32
          %add3A_162 = arith.constant 0 : i32
          %add3A_163 = arith.addi %add3A_162, %mul3A_161 : i32
          %mul3A_164 = arith.constant 16 : i32
          %mul3A_165 = arith.muli %add3A_163, %mul3A_164 : i32
          %get3A = arith.index_cast %mul3A_165 : i32 to index
          %get3A_166 = tpu.vector_load %arg8[%get3A] {strides = array<i32>} : memref<1536xi32, #tpu.memory_space<vmem>>, vector<16xi32>,
          %get3A_167 = vector.shape_cast %get3A_166 : vector<16xi32> to vector<16xi32>
          %sub3A_168 = vector.broadcast %mul3A_50 : i32 to vector<16xi32>
          %sub3A_169 = arith.subi %get3A_167, %sub3A_168 : vector<16xi32>
          %bitcast3A = vector.bitcast %sub3A_169 : vector<16xi32> to vector<16xi32>
          %lt3A_170 = arith.constant 1949696 : i32
          %lt3A_171 = vector.broadcast %lt3A_170 : i32 to vector<16xi32>
          %lt3A_172 = arith.cmpi ult, %bitcast3A, %lt3A_171 : vector<16xi32>
          %and3A_173 = arith.constant 16383 : i32
          %and3A_174 = vector.broadcast %and3A_173 : i32 to vector<16xi32>
          %and3A_175 = arith.andi %get3A_167, %and3A_174 : vector<16xi32>
          %add3A_176 = arith.constant 1949696 : i32
          %add3A_177 = vector.broadcast %add3A_176 : i32 to vector<16xi32>
          %add3A_178 = arith.addi %add3A_177, %and3A_175 : vector<16xi32>
          %select_n3A_179 = arith.select %lt3A_172, %sub3A_169, %add3A_178 : vector<16xi1>, vector<16xi32>
          %mul3A_180 = arith.constant 16 : i32
          %mul3A_181 = arith.muli %add3A_163, %mul3A_180 : i32
          %swap3A = arith.index_cast %mul3A_181 : i32 to index
          %swap3A_182 = tpu.vector_load %arg11[%swap3A] {strides = array<i32>} : memref<1536xi32, #tpu.memory_space<vmem>>, vector<16xi32>,
          %swap3A_183 = vector.shape_cast %swap3A_182 : vector<16xi32> to vector<16xi32>
          %swap3A_184 = vector.shape_cast %select_n3A_179 : vector<16xi32> to vector<16xi32>
          tpu.vector_store %arg11[%swap3A], %swap3A_184 {strides = array<i32>} : memref<1536xi32, #tpu.memory_space<vmem>>, vector<16xi32>,
        }
        %scan3A_148 = arith.constant 96 : i32
        "tpu.region"() ({
          %run_scoped3A = tpu.sem_alloc : memref<!tpu.dma_semaphore, #tpu.memory_space<semaphore_mem>>
          %dma_start3A_159 = arith.constant 0 : i32
          %dma_start3A_160 = tpu.memref_slice %arg6[%dma_start3A_159] : memref<1966080xf32, #tpu.memory_space<vmem_shared>> -> memref<1966080xf32, #tpu.memory_space<vmem_shared>>
          tpu.enqueue_indirect_dma source(%arg10 : memref<1536xf32, #tpu.memory_space<vmem>>) target(%dma_start3A_160 : memref<1966080xf32, #tpu.memory_space<vmem_shared>>) offsets(%arg11 : memref<1536xi32, #tpu.memory_space<vmem>>) semaphore(%run_scoped3A : memref<!tpu.dma_semaphore, #tpu.memory_space<semaphore_mem>>) {add = true}
          %dma_wait3A_161 = arith.constant 0 : i32
          %dma_wait3A_162 = tpu.memref_slice %arg6[%dma_wait3A_161] : memref<1966080xf32, #tpu.memory_space<vmem_shared>> -> memref<1966080xf32, #tpu.memory_space<vmem_shared>>
          tpu.wait_indirect_dma semaphore(%run_scoped3A : memref<!tpu.dma_semaphore, #tpu.memory_space<semaphore_mem>>) src(%arg10 : memref<1536xf32, #tpu.memory_space<vmem>>) dst(%dma_wait3A_162 : memref<1966080xf32, #tpu.memory_space<vmem_shared>>)
          tpu.yield
        }) : () -> ()
        %add3A_149 = arith.constant 3 : i32
        %add3A_150 = arith.addi %mul3A_112, %add3A_149 : i32
        %mul3A_151 = arith.constant 1536 : i32
        %mul3A_152 = arith.muli %add3A_150, %mul3A_151 : i32
        %add3A_153 = arith.addi %add3A_48, %mul3A_152 : i32
        %multiple_of3A_154 = tpu.assume_multiple %add3A_153, 8 : i32
        %dma_start3A_155 = tpu.memref_slice %arg2[%multiple_of3A_154] : memref<4816896xi32, #tpu.memory_space<hbm>> -> memref<1536xi32, #tpu.memory_space<hbm>>
        %dma_start3A_156 = tpu.memref_slice %arg2[%multiple_of3A_154] : memref<4816896xi32, #tpu.memory_space<hbm>> -> memref<1536xi32, #tpu.memory_space<hbm>>
        tpu.enqueue_dma source(%dma_start3A_156 : memref<1536xi32, #tpu.memory_space<hbm>>) target(%arg8 : memref<1536xi32, #tpu.memory_space<vmem>>) target_semaphore(%arg13 : memref<!tpu.dma_semaphore, #tpu.memory_space<semaphore_mem>>)
        %dma_start3A_157 = tpu.memref_slice %arg3[%multiple_of3A_154] : memref<4816896xf32, #tpu.memory_space<hbm>> -> memref<1536xf32, #tpu.memory_space<hbm>>
        %dma_start3A_158 = tpu.memref_slice %arg3[%multiple_of3A_154] : memref<4816896xf32, #tpu.memory_space<hbm>> -> memref<1536xf32, #tpu.memory_space<hbm>>
        tpu.enqueue_dma source(%dma_start3A_158 : memref<1536xf32, #tpu.memory_space<hbm>>) target(%arg10 : memref<1536xf32, #tpu.memory_space<vmem>>) target_semaphore(%arg15 : memref<!tpu.dma_semaphore, #tpu.memory_space<semaphore_mem>>)
      }
      %scan3A_70 = arith.constant 48 : i32
      %dma_wait3A = arith.constant 0 : i32
      %dma_wait3A_71 = tpu.memref_slice %arg2[%dma_wait3A] : memref<4816896xi32, #tpu.memory_space<hbm>> -> memref<1536xi32, #tpu.memory_space<hbm>>
      %dma_wait3A_72 = arith.constant 0 : i32
      %dma_wait3A_73 = tpu.memref_slice %arg2[%dma_wait3A_72] : memref<4816896xi32, #tpu.memory_space<hbm>> -> memref<1536xi32, #tpu.memory_space<hbm>>
      tpu.wait_dma2 semaphore(%arg12 : memref<!tpu.dma_semaphore, #tpu.memory_space<semaphore_mem>>) src(%dma_wait3A_73 : memref<1536xi32, #tpu.memory_space<hbm>>) dst(%arg7 : memref<1536xi32, #tpu.memory_space<vmem>>)
      %dma_wait3A_74 = arith.constant 0 : i32
      %dma_wait3A_75 = tpu.memref_slice %arg3[%dma_wait3A_74] : memref<4816896xf32, #tpu.memory_space<hbm>> -> memref<1536xf32, #tpu.memory_space<hbm>>
      %dma_wait3A_76 = arith.constant 0 : i32
      %dma_wait3A_77 = tpu.memref_slice %arg3[%dma_wait3A_76] : memref<4816896xf32, #tpu.memory_space<hbm>> -> memref<1536xf32, #tpu.memory_space<hbm>>
      tpu.wait_dma2 semaphore(%arg14 : memref<!tpu.dma_semaphore, #tpu.memory_space<semaphore_mem>>) src(%dma_wait3A_77 : memref<1536xf32, #tpu.memory_space<hbm>>) dst(%arg9 : memref<1536xf32, #tpu.memory_space<vmem>>)
      %scan3A_78 = arith.constant 0 : i32
      %scan3A_79 = arith.constant 96 : i32
      %scan3A_80 = arith.addi %scan3A_78, %scan3A_79 : i32
      %scan3A_81 = arith.constant 1 : i32
      scf.for %scan3A_106 = %scan3A_78 to %scan3A_80 step %scan3A_81  : i32 {
        %mul3A_107 = arith.constant 1 : i32
        %mul3A_108 = arith.muli %scan3A_106, %mul3A_107 : i32
        %add3A_109 = arith.constant 0 : i32
        %add3A_110 = arith.addi %add3A_109, %mul3A_108 : i32
        %mul3A_111 = arith.constant 16 : i32
        %mul3A_112 = arith.muli %add3A_110, %mul3A_111 : i32
        %get3A = arith.index_cast %mul3A_112 : i32 to index
        %get3A_113 = tpu.vector_load %arg7[%get3A] {strides = array<i32>} : memref<1536xi32, #tpu.memory_space<vmem>>, vector<16xi32>,
        %get3A_114 = vector.shape_cast %get3A_113 : vector<16xi32> to vector<16xi32>
        %sub3A_115 = vector.broadcast %mul3A_50 : i32 to vector<16xi32>
        %sub3A_116 = arith.subi %get3A_114, %sub3A_115 : vector<16xi32>
        %bitcast3A = vector.bitcast %sub3A_116 : vector<16xi32> to vector<16xi32>
        %lt3A_117 = arith.constant 1949696 : i32
        %lt3A_118 = vector.broadcast %lt3A_117 : i32 to vector<16xi32>
        %lt3A_119 = arith.cmpi ult, %bitcast3A, %lt3A_118 : vector<16xi32>
        %and3A_120 = arith.constant 16383 : i32
        %and3A_121 = vector.broadcast %and3A_120 : i32 to vector<16xi32>
        %and3A_122 = arith.andi %get3A_114, %and3A_121 : vector<16xi32>
        %add3A_123 = arith.constant 1949696 : i32
        %add3A_124 = vector.broadcast %add3A_123 : i32 to vector<16xi32>
        %add3A_125 = arith.addi %add3A_124, %and3A_122 : vector<16xi32>
        %select_n3A_126 = arith.select %lt3A_119, %sub3A_116, %add3A_125 : vector<16xi1>, vector<16xi32>
        %mul3A_127 = arith.constant 16 : i32
        %mul3A_128 = arith.muli %add3A_110, %mul3A_127 : i32
        %swap3A = arith.index_cast %mul3A_128 : i32 to index
        %swap3A_129 = tpu.vector_load %arg11[%swap3A] {strides = array<i32>} : memref<1536xi32, #tpu.memory_space<vmem>>, vector<16xi32>,
        %swap3A_130 = vector.shape_cast %swap3A_129 : vector<16xi32> to vector<16xi32>
        %swap3A_131 = vector.shape_cast %select_n3A_126 : vector<16xi32> to vector<16xi32>
        tpu.vector_store %arg11[%swap3A], %swap3A_131 {strides = array<i32>} : memref<1536xi32, #tpu.memory_space<vmem>>, vector<16xi32>,
      }
      %scan3A_82 = arith.constant 96 : i32
      "tpu.region"() ({
        %run_scoped3A = tpu.sem_alloc : memref<!tpu.dma_semaphore, #tpu.memory_space<semaphore_mem>>
        %dma_start3A_106 = arith.constant 0 : i32
        %dma_start3A_107 = tpu.memref_slice %arg6[%dma_start3A_106] : memref<1966080xf32, #tpu.memory_space<vmem_shared>> -> memref<1966080xf32, #tpu.memory_space<vmem_shared>>
        tpu.enqueue_indirect_dma source(%arg9 : memref<1536xf32, #tpu.memory_space<vmem>>) target(%dma_start3A_107 : memref<1966080xf32, #tpu.memory_space<vmem_shared>>) offsets(%arg11 : memref<1536xi32, #tpu.memory_space<vmem>>) semaphore(%run_scoped3A : memref<!tpu.dma_semaphore, #tpu.memory_space<semaphore_mem>>) {add = true}
        %dma_wait3A_108 = arith.constant 0 : i32
        %dma_wait3A_109 = tpu.memref_slice %arg6[%dma_wait3A_108] : memref<1966080xf32, #tpu.memory_space<vmem_shared>> -> memref<1966080xf32, #tpu.memory_space<vmem_shared>>
        tpu.wait_indirect_dma semaphore(%run_scoped3A : memref<!tpu.dma_semaphore, #tpu.memory_space<semaphore_mem>>) src(%arg9 : memref<1536xf32, #tpu.memory_space<vmem>>) dst(%dma_wait3A_109 : memref<1966080xf32, #tpu.memory_space<vmem_shared>>)
        tpu.yield
      }) : () -> ()
      %dma_wait3A_83 = arith.constant 0 : i32
      %dma_wait3A_84 = tpu.memref_slice %arg2[%dma_wait3A_83] : memref<4816896xi32, #tpu.memory_space<hbm>> -> memref<1536xi32, #tpu.memory_space<hbm>>
      %dma_wait3A_85 = arith.constant 0 : i32
      %dma_wait3A_86 = tpu.memref_slice %arg2[%dma_wait3A_85] : memref<4816896xi32, #tpu.memory_space<hbm>> -> memref<1536xi32, #tpu.memory_space<hbm>>
      tpu.wait_dma2 semaphore(%arg13 : memref<!tpu.dma_semaphore, #tpu.memory_space<semaphore_mem>>) src(%dma_wait3A_86 : memref<1536xi32, #tpu.memory_space<hbm>>) dst(%arg8 : memref<1536xi32, #tpu.memory_space<vmem>>)
      %dma_wait3A_87 = arith.constant 0 : i32
      %dma_wait3A_88 = tpu.memref_slice %arg3[%dma_wait3A_87] : memref<4816896xf32, #tpu.memory_space<hbm>> -> memref<1536xf32, #tpu.memory_space<hbm>>
      %dma_wait3A_89 = arith.constant 0 : i32
      %dma_wait3A_90 = tpu.memref_slice %arg3[%dma_wait3A_89] : memref<4816896xf32, #tpu.memory_space<hbm>> -> memref<1536xf32, #tpu.memory_space<hbm>>
      tpu.wait_dma2 semaphore(%arg15 : memref<!tpu.dma_semaphore, #tpu.memory_space<semaphore_mem>>) src(%dma_wait3A_90 : memref<1536xf32, #tpu.memory_space<hbm>>) dst(%arg10 : memref<1536xf32, #tpu.memory_space<vmem>>)
      %scan3A_91 = arith.constant 0 : i32
      %scan3A_92 = arith.constant 96 : i32
      %scan3A_93 = arith.addi %scan3A_91, %scan3A_92 : i32
      %scan3A_94 = arith.constant 1 : i32
      scf.for %scan3A_106 = %scan3A_91 to %scan3A_93 step %scan3A_94  : i32 {
        %mul3A_107 = arith.constant 1 : i32
        %mul3A_108 = arith.muli %scan3A_106, %mul3A_107 : i32
        %add3A_109 = arith.constant 0 : i32
        %add3A_110 = arith.addi %add3A_109, %mul3A_108 : i32
        %mul3A_111 = arith.constant 16 : i32
        %mul3A_112 = arith.muli %add3A_110, %mul3A_111 : i32
        %get3A = arith.index_cast %mul3A_112 : i32 to index
        %get3A_113 = tpu.vector_load %arg8[%get3A] {strides = array<i32>} : memref<1536xi32, #tpu.memory_space<vmem>>, vector<16xi32>,
        %get3A_114 = vector.shape_cast %get3A_113 : vector<16xi32> to vector<16xi32>
        %sub3A_115 = vector.broadcast %mul3A_50 : i32 to vector<16xi32>
        %sub3A_116 = arith.subi %get3A_114, %sub3A_115 : vector<16xi32>
        %bitcast3A = vector.bitcast %sub3A_116 : vector<16xi32> to vector<16xi32>
        %lt3A_117 = arith.constant 1949696 : i32
        %lt3A_118 = vector.broadcast %lt3A_117 : i32 to vector<16xi32>
        %lt3A_119 = arith.cmpi ult, %bitcast3A, %lt3A_118 : vector<16xi32>
        %and3A_120 = arith.constant 16383 : i32
        %and3A_121 = vector.broadcast %and3A_120 : i32 to vector<16xi32>
        %and3A_122 = arith.andi %get3A_114, %and3A_121 : vector<16xi32>
        %add3A_123 = arith.constant 1949696 : i32
        %add3A_124 = vector.broadcast %add3A_123 : i32 to vector<16xi32>
        %add3A_125 = arith.addi %add3A_124, %and3A_122 : vector<16xi32>
        %select_n3A_126 = arith.select %lt3A_119, %sub3A_116, %add3A_125 : vector<16xi1>, vector<16xi32>
        %mul3A_127 = arith.constant 16 : i32
        %mul3A_128 = arith.muli %add3A_110, %mul3A_127 : i32
        %swap3A = arith.index_cast %mul3A_128 : i32 to index
        %swap3A_129 = tpu.vector_load %arg11[%swap3A] {strides = array<i32>} : memref<1536xi32, #tpu.memory_space<vmem>>, vector<16xi32>,
        %swap3A_130 = vector.shape_cast %swap3A_129 : vector<16xi32> to vector<16xi32>
        %swap3A_131 = vector.shape_cast %select_n3A_126 : vector<16xi32> to vector<16xi32>
        tpu.vector_store %arg11[%swap3A], %swap3A_131 {strides = array<i32>} : memref<1536xi32, #tpu.memory_space<vmem>>, vector<16xi32>,
      }
      %scan3A_95 = arith.constant 96 : i32
      "tpu.region"() ({
        %run_scoped3A = tpu.sem_alloc : memref<!tpu.dma_semaphore, #tpu.memory_space<semaphore_mem>>
        %dma_start3A_106 = arith.constant 0 : i32
        %dma_start3A_107 = tpu.memref_slice %arg6[%dma_start3A_106] : memref<1966080xf32, #tpu.memory_space<vmem_shared>> -> memref<1966080xf32, #tpu.memory_space<vmem_shared>>
        tpu.enqueue_indirect_dma source(%arg10 : memref<1536xf32, #tpu.memory_space<vmem>>) target(%dma_start3A_107 : memref<1966080xf32, #tpu.memory_space<vmem_shared>>) offsets(%arg11 : memref<1536xi32, #tpu.memory_space<vmem>>) semaphore(%run_scoped3A : memref<!tpu.dma_semaphore, #tpu.memory_space<semaphore_mem>>) {add = true}
        %dma_wait3A_108 = arith.constant 0 : i32
        %dma_wait3A_109 = tpu.memref_slice %arg6[%dma_wait3A_108] : memref<1966080xf32, #tpu.memory_space<vmem_shared>> -> memref<1966080xf32, #tpu.memory_space<vmem_shared>>
        tpu.wait_indirect_dma semaphore(%run_scoped3A : memref<!tpu.dma_semaphore, #tpu.memory_space<semaphore_mem>>) src(%arg10 : memref<1536xf32, #tpu.memory_space<vmem>>) dst(%dma_wait3A_109 : memref<1966080xf32, #tpu.memory_space<vmem_shared>>)
        tpu.yield
      }) : () -> ()
      %barrier3A_96 = arith.constant 0 : index
      tpu.barrier barrier_id(%barrier3A_96)
      %lt3A_97 = arith.constant 4 : i32
      %lt3A_98 = arith.cmpi slt, %select_n3A_41, %lt3A_97 : i32
      %convert_element_type3A = arith.extui %lt3A_98 : i1 to i32
      %cond3A = arith.constant 0 : i32
      %cond3A_99 = arith.cmpi ne, %convert_element_type3A, %cond3A : i32
      scf.if %cond3A_99 {
        %mul3A_106 = arith.constant 121856 : i32
        %mul3A_107 = arith.muli %arg1, %mul3A_106 : i32
        %multiple_of3A_108 = tpu.assume_multiple %mul3A_107, 8 : i32
        %sub3A_109 = arith.constant 2 : i32
        %sub3A_110 = arith.subi %select_n3A, %sub3A_109 : i32
        %mul3A_111 = arith.constant 9633792 : i32
        %mul3A_112 = arith.muli %sub3A_110, %mul3A_111 : i32
        %mul3A_113 = arith.constant 1949696 : i32
        %mul3A_114 = arith.muli %select_n3A_41, %mul3A_113 : i32
        %add3A_115 = arith.addi %mul3A_112, %mul3A_114 : i32
        %mul3A_116 = arith.constant 121856 : i32
        %mul3A_117 = arith.muli %arg1, %mul3A_116 : i32
        %add3A_118 = arith.addi %add3A_115, %mul3A_117 : i32
        %multiple_of3A_119 = tpu.assume_multiple %add3A_118, 8 : i32
        "tpu.region"() ({
          %run_scoped3A = tpu.sem_alloc : memref<!tpu.dma_semaphore, #tpu.memory_space<semaphore_mem>>
          %dma_start3A_120 = tpu.memref_slice %arg5[%multiple_of3A_119] : memref<19267584xf32, #tpu.memory_space<hbm>> -> memref<121856xf32, #tpu.memory_space<hbm>>
          %dma_start3A_121 = tpu.memref_slice %arg6[%multiple_of3A_108] : memref<1966080xf32, #tpu.memory_space<vmem_shared>> -> memref<121856xf32, #tpu.memory_space<vmem_shared>>
          tpu.enqueue_dma source(%dma_start3A_121 : memref<121856xf32, #tpu.memory_space<vmem_shared>>) target(%dma_start3A_120 : memref<121856xf32, #tpu.memory_space<hbm>>) target_semaphore(%run_scoped3A : memref<!tpu.dma_semaphore, #tpu.memory_space<semaphore_mem>>)
          %dma_wait3A_122 = tpu.memref_slice %arg5[%multiple_of3A_119] : memref<19267584xf32, #tpu.memory_space<hbm>> -> memref<121856xf32, #tpu.memory_space<hbm>>
          %dma_wait3A_123 = tpu.memref_slice %arg6[%multiple_of3A_108] : memref<1966080xf32, #tpu.memory_space<vmem_shared>> -> memref<121856xf32, #tpu.memory_space<vmem_shared>>
          tpu.wait_dma2 semaphore(%run_scoped3A : memref<!tpu.dma_semaphore, #tpu.memory_space<semaphore_mem>>) src(%dma_wait3A_123 : memref<121856xf32, #tpu.memory_space<vmem_shared>>) dst(%dma_wait3A_122 : memref<121856xf32, #tpu.memory_space<hbm>>)
          tpu.yield
        }) : () -> ()
      } else {
      }
      %eq3A_100 = arith.constant 4 : i32
      %eq3A_101 = arith.cmpi eq, %select_n3A_41, %eq3A_100 : i32
      %convert_element_type3A_102 = arith.extui %eq3A_101 : i1 to i32
      %cond3A_103 = arith.constant 0 : i32
      %cond3A_104 = arith.cmpi ne, %convert_element_type3A_102, %cond3A_103 : i32
      scf.if %cond3A_104 {
        %mul3A_106 = arith.constant 114688 : i32
        %mul3A_107 = arith.muli %arg1, %mul3A_106 : i32
        %multiple_of3A_108 = tpu.assume_multiple %mul3A_107, 8 : i32
        %sub3A_109 = arith.constant 2 : i32
        %sub3A_110 = arith.subi %select_n3A, %sub3A_109 : i32
        %mul3A_111 = arith.constant 9633792 : i32
        %mul3A_112 = arith.muli %sub3A_110, %mul3A_111 : i32
        %mul3A_113 = arith.constant 1949696 : i32
        %mul3A_114 = arith.muli %select_n3A_41, %mul3A_113 : i32
        %add3A_115 = arith.addi %mul3A_112, %mul3A_114 : i32
        %mul3A_116 = arith.constant 114688 : i32
        %mul3A_117 = arith.muli %arg1, %mul3A_116 : i32
        %add3A_118 = arith.addi %add3A_115, %mul3A_117 : i32
        %multiple_of3A_119 = tpu.assume_multiple %add3A_118, 8 : i32
        "tpu.region"() ({
          %run_scoped3A = tpu.sem_alloc : memref<!tpu.dma_semaphore, #tpu.memory_space<semaphore_mem>>
          %dma_start3A_120 = tpu.memref_slice %arg5[%multiple_of3A_119] : memref<19267584xf32, #tpu.memory_space<hbm>> -> memref<114688xf32, #tpu.memory_space<hbm>>
          %dma_start3A_121 = tpu.memref_slice %arg6[%multiple_of3A_108] : memref<1966080xf32, #tpu.memory_space<vmem_shared>> -> memref<114688xf32, #tpu.memory_space<vmem_shared>>
          tpu.enqueue_dma source(%dma_start3A_121 : memref<114688xf32, #tpu.memory_space<vmem_shared>>) target(%dma_start3A_120 : memref<114688xf32, #tpu.memory_space<hbm>>) target_semaphore(%run_scoped3A : memref<!tpu.dma_semaphore, #tpu.memory_space<semaphore_mem>>)
          %dma_wait3A_122 = tpu.memref_slice %arg5[%multiple_of3A_119] : memref<19267584xf32, #tpu.memory_space<hbm>> -> memref<114688xf32, #tpu.memory_space<hbm>>
          %dma_wait3A_123 = tpu.memref_slice %arg6[%multiple_of3A_108] : memref<1966080xf32, #tpu.memory_space<vmem_shared>> -> memref<114688xf32, #tpu.memory_space<vmem_shared>>
          tpu.wait_dma2 semaphore(%run_scoped3A : memref<!tpu.dma_semaphore, #tpu.memory_space<semaphore_mem>>) src(%dma_wait3A_123 : memref<114688xf32, #tpu.memory_space<vmem_shared>>) dst(%dma_wait3A_122 : memref<114688xf32, #tpu.memory_space<hbm>>)
          tpu.yield
        }) : () -> ()
      } else {
      }
      %barrier3A_105 = arith.constant 0 : index
      tpu.barrier barrier_id(%barrier3A_105)
    }
    %scan3A_3 = arith.constant 5 : i32
    return
  }
}

module attributes {stable_mosaic.version = 14 : i64} {
  func.func @_pre_body(%arg0: i32, %arg1: memref<16x192x112xi32, #tpu.memory_space<vmem>>, %arg2: memref<16x192x112xf32, #tpu.memory_space<vmem>>, %arg3: memref<2688x128xi32, #tpu.memory_space<vmem>>, %arg4: memref<2688x128xf32, #tpu.memory_space<vmem>>) attributes {dimension_semantics = [#tpu.dimension_semantics<arbitrary>], iteration_bounds = array<i64: 14>, scalar_prefetch = 0 : i64, scratch_operands = 0 : i64, tpu.core_type = #tpu.core_type<tc>, window_params = [{transform_indices = @transform_0, window_bounds = array<i64: 16, 192, 112>}, {transform_indices = @transform_1, window_bounds = array<i64: 16, 192, 112>}, {transform_indices = @transform_2, window_bounds = array<i64: 2688, 128>}, {transform_indices = @transform_3, window_bounds = array<i64: 2688, 128>}]} {
    %get3A = arith.constant 0 : index
    %get3A_0 = arith.constant 0 : index
    %get3A_1 = arith.constant 0 : index
    %get3A_2 = vector.load %arg1[%get3A, %get3A_0, %get3A_1] : memref<16x192x112xi32, #tpu.memory_space<vmem>>, vector<16x192x112xi32>
    %get3A_3 = arith.constant 0 : index
    %get3A_4 = arith.constant 0 : index
    %get3A_5 = arith.constant 0 : index
    %get3A_6 = vector.load %arg2[%get3A_3, %get3A_4, %get3A_5] : memref<16x192x112xf32, #tpu.memory_space<vmem>>, vector<16x192x112xf32>
    %iota3A = tpu.iota {dimensions = array<i32: 1>} : vector<16x192x112xi32>
    %shift_right_arithmetic3A = arith.constant 6 : i32
    %shift_right_arithmetic3A_7 = vector.broadcast %shift_right_arithmetic3A : i32 to vector<16x192x112xi32>
    %shift_right_arithmetic3A_8 = arith.shrsi %get3A_2, %shift_right_arithmetic3A_7 : vector<16x192x112xi32>
    %shift_right_logical3A = arith.constant 16 : i32
    %shift_right_logical3A_9 = vector.broadcast %shift_right_logical3A : i32 to vector<16x192x112xi32>
    %shift_right_logical3A_10 = arith.shrui %shift_right_arithmetic3A_8, %shift_right_logical3A_9 : vector<16x192x112xi32>
    %and3A = arith.constant 65535 : i32
    %and3A_11 = vector.broadcast %and3A : i32 to vector<16x192x112xi32>
    %and3A_12 = arith.andi %shift_right_arithmetic3A_8, %and3A_11 : vector<16x192x112xi32>
    %add3A = arith.addi %and3A_12, %shift_right_logical3A_10 : vector<16x192x112xi32>
    %mul3A = arith.constant 21845 : i32
    %mul3A_13 = vector.broadcast %mul3A : i32 to vector<16x192x112xi32>
    %mul3A_14 = arith.muli %mul3A_13, %shift_right_logical3A_10 : vector<16x192x112xi32>
    %mul3A_15 = arith.constant 43691 : i32
    %mul3A_16 = vector.broadcast %mul3A_15 : i32 to vector<16x192x112xi32>
    %mul3A_17 = arith.muli %add3A, %mul3A_16 : vector<16x192x112xi32>
    %shift_right_logical3A_18 = arith.constant 17 : i32
    %shift_right_logical3A_19 = vector.broadcast %shift_right_logical3A_18 : i32 to vector<16x192x112xi32>
    %shift_right_logical3A_20 = arith.shrui %mul3A_17, %shift_right_logical3A_19 : vector<16x192x112xi32>
    %add3A_21 = arith.addi %mul3A_14, %shift_right_logical3A_20 : vector<16x192x112xi32>
    %shift_right_arithmetic3A_22 = arith.constant 5 : i32
    %shift_right_arithmetic3A_23 = vector.broadcast %shift_right_arithmetic3A_22 : i32 to vector<16x192x112xi32>
    %shift_right_arithmetic3A_24 = arith.shrsi %add3A_21, %shift_right_arithmetic3A_23 : vector<16x192x112xi32>
    %mul3A_25 = arith.constant 9363 : i32
    %mul3A_26 = vector.broadcast %mul3A_25 : i32 to vector<16x192x112xi32>
    %mul3A_27 = arith.muli %shift_right_arithmetic3A_24, %mul3A_26 : vector<16x192x112xi32>
    %shift_right_arithmetic3A_28 = arith.constant 16 : i32
    %shift_right_arithmetic3A_29 = vector.broadcast %shift_right_arithmetic3A_28 : i32 to vector<16x192x112xi32>
    %shift_right_arithmetic3A_30 = arith.shrsi %mul3A_27, %shift_right_arithmetic3A_29 : vector<16x192x112xi32>
    %mul3A_31 = arith.constant 224 : i32
    %mul3A_32 = vector.broadcast %mul3A_31 : i32 to vector<16x192x112xi32>
    %mul3A_33 = arith.muli %shift_right_arithmetic3A_30, %mul3A_32 : vector<16x192x112xi32>
    %sub3A = arith.subi %add3A_21, %mul3A_33 : vector<16x192x112xi32>
    %mul3A_34 = arith.constant 43008 : i32
    %mul3A_35 = vector.broadcast %mul3A_34 : i32 to vector<16x192x112xi32>
    %mul3A_36 = arith.muli %shift_right_arithmetic3A_30, %mul3A_35 : vector<16x192x112xi32>
    %mul3A_37 = arith.constant 224 : i32
    %mul3A_38 = vector.broadcast %mul3A_37 : i32 to vector<16x192x112xi32>
    %mul3A_39 = arith.muli %iota3A, %mul3A_38 : vector<16x192x112xi32>
    %add3A_40 = arith.addi %mul3A_36, %mul3A_39 : vector<16x192x112xi32>
    %add3A_41 = arith.addi %add3A_40, %sub3A : vector<16x192x112xi32>
    %reshape3A = vector.shape_cast %add3A_41 : vector<16x192x112xi32> to vector<3072x112xi32>
    %reshape3A_42 = vector.shape_cast %reshape3A : vector<3072x112xi32> to vector<384x8x112xi32>
    %slice3A = vector.extract_strided_slice %reshape3A_42 {offsets = [0, 0, 0], sizes = [384, 1, 112], strides = [1, 1, 1]} : vector<384x8x112xi32> to vector<384x1x112xi32>
    %squeeze3A = vector.shape_cast %slice3A : vector<384x1x112xi32> to vector<384x112xi32>
    %slice3A_43 = vector.extract_strided_slice %reshape3A_42 {offsets = [0, 1, 0], sizes = [384, 1, 16], strides = [1, 1, 1]} : vector<384x8x112xi32> to vector<384x1x16xi32>
    %squeeze3A_44 = vector.shape_cast %slice3A_43 : vector<384x1x16xi32> to vector<384x16xi32>
    %concatenate3A = tpu.concatenate %squeeze3A, %squeeze3A_44 in 1 : vector<384x112xi32>, vector<384x16xi32> -> vector<384x128xi32>
    %slice3A_45 = vector.extract_strided_slice %reshape3A_42 {offsets = [0, 1, 16], sizes = [384, 1, 96], strides = [1, 1, 1]} : vector<384x8x112xi32> to vector<384x1x96xi32>
    %squeeze3A_46 = vector.shape_cast %slice3A_45 : vector<384x1x96xi32> to vector<384x96xi32>
    %slice3A_47 = vector.extract_strided_slice %reshape3A_42 {offsets = [0, 2, 0], sizes = [384, 1, 32], strides = [1, 1, 1]} : vector<384x8x112xi32> to vector<384x1x32xi32>
    %squeeze3A_48 = vector.shape_cast %slice3A_47 : vector<384x1x32xi32> to vector<384x32xi32>
    %concatenate3A_49 = tpu.concatenate %squeeze3A_46, %squeeze3A_48 in 1 : vector<384x96xi32>, vector<384x32xi32> -> vector<384x128xi32>
    %slice3A_50 = vector.extract_strided_slice %reshape3A_42 {offsets = [0, 2, 32], sizes = [384, 1, 80], strides = [1, 1, 1]} : vector<384x8x112xi32> to vector<384x1x80xi32>
    %squeeze3A_51 = vector.shape_cast %slice3A_50 : vector<384x1x80xi32> to vector<384x80xi32>
    %slice3A_52 = vector.extract_strided_slice %reshape3A_42 {offsets = [0, 3, 0], sizes = [384, 1, 48], strides = [1, 1, 1]} : vector<384x8x112xi32> to vector<384x1x48xi32>
    %squeeze3A_53 = vector.shape_cast %slice3A_52 : vector<384x1x48xi32> to vector<384x48xi32>
    %concatenate3A_54 = tpu.concatenate %squeeze3A_51, %squeeze3A_53 in 1 : vector<384x80xi32>, vector<384x48xi32> -> vector<384x128xi32>
    %slice3A_55 = vector.extract_strided_slice %reshape3A_42 {offsets = [0, 3, 48], sizes = [384, 1, 64], strides = [1, 1, 1]} : vector<384x8x112xi32> to vector<384x1x64xi32>
    %squeeze3A_56 = vector.shape_cast %slice3A_55 : vector<384x1x64xi32> to vector<384x64xi32>
    %slice3A_57 = vector.extract_strided_slice %reshape3A_42 {offsets = [0, 4, 0], sizes = [384, 1, 64], strides = [1, 1, 1]} : vector<384x8x112xi32> to vector<384x1x64xi32>
    %squeeze3A_58 = vector.shape_cast %slice3A_57 : vector<384x1x64xi32> to vector<384x64xi32>
    %concatenate3A_59 = tpu.concatenate %squeeze3A_56, %squeeze3A_58 in 1 : vector<384x64xi32>, vector<384x64xi32> -> vector<384x128xi32>
    %slice3A_60 = vector.extract_strided_slice %reshape3A_42 {offsets = [0, 4, 64], sizes = [384, 1, 48], strides = [1, 1, 1]} : vector<384x8x112xi32> to vector<384x1x48xi32>
    %squeeze3A_61 = vector.shape_cast %slice3A_60 : vector<384x1x48xi32> to vector<384x48xi32>
    %slice3A_62 = vector.extract_strided_slice %reshape3A_42 {offsets = [0, 5, 0], sizes = [384, 1, 80], strides = [1, 1, 1]} : vector<384x8x112xi32> to vector<384x1x80xi32>
    %squeeze3A_63 = vector.shape_cast %slice3A_62 : vector<384x1x80xi32> to vector<384x80xi32>
    %concatenate3A_64 = tpu.concatenate %squeeze3A_61, %squeeze3A_63 in 1 : vector<384x48xi32>, vector<384x80xi32> -> vector<384x128xi32>
    %slice3A_65 = vector.extract_strided_slice %reshape3A_42 {offsets = [0, 5, 80], sizes = [384, 1, 32], strides = [1, 1, 1]} : vector<384x8x112xi32> to vector<384x1x32xi32>
    %squeeze3A_66 = vector.shape_cast %slice3A_65 : vector<384x1x32xi32> to vector<384x32xi32>
    %slice3A_67 = vector.extract_strided_slice %reshape3A_42 {offsets = [0, 6, 0], sizes = [384, 1, 96], strides = [1, 1, 1]} : vector<384x8x112xi32> to vector<384x1x96xi32>
    %squeeze3A_68 = vector.shape_cast %slice3A_67 : vector<384x1x96xi32> to vector<384x96xi32>
    %concatenate3A_69 = tpu.concatenate %squeeze3A_66, %squeeze3A_68 in 1 : vector<384x32xi32>, vector<384x96xi32> -> vector<384x128xi32>
    %slice3A_70 = vector.extract_strided_slice %reshape3A_42 {offsets = [0, 6, 96], sizes = [384, 1, 16], strides = [1, 1, 1]} : vector<384x8x112xi32> to vector<384x1x16xi32>
    %squeeze3A_71 = vector.shape_cast %slice3A_70 : vector<384x1x16xi32> to vector<384x16xi32>
    %slice3A_72 = vector.extract_strided_slice %reshape3A_42 {offsets = [0, 7, 0], sizes = [384, 1, 112], strides = [1, 1, 1]} : vector<384x8x112xi32> to vector<384x1x112xi32>
    %squeeze3A_73 = vector.shape_cast %slice3A_72 : vector<384x1x112xi32> to vector<384x112xi32>
    %concatenate3A_74 = tpu.concatenate %squeeze3A_71, %squeeze3A_73 in 1 : vector<384x16xi32>, vector<384x112xi32> -> vector<384x128xi32>
    %stack3A = vector.shape_cast %concatenate3A : vector<384x128xi32> to vector<384x1x128xi32>
    %stack3A_75 = vector.shape_cast %concatenate3A_49 : vector<384x128xi32> to vector<384x1x128xi32>
    %stack3A_76 = vector.shape_cast %concatenate3A_54 : vector<384x128xi32> to vector<384x1x128xi32>
    %stack3A_77 = vector.shape_cast %concatenate3A_59 : vector<384x128xi32> to vector<384x1x128xi32>
    %stack3A_78 = vector.shape_cast %concatenate3A_64 : vector<384x128xi32> to vector<384x1x128xi32>
    %stack3A_79 = vector.shape_cast %concatenate3A_69 : vector<384x128xi32> to vector<384x1x128xi32>
    %stack3A_80 = vector.shape_cast %concatenate3A_74 : vector<384x128xi32> to vector<384x1x128xi32>
    %stack3A_81 = tpu.concatenate %stack3A, %stack3A_75, %stack3A_76, %stack3A_77, %stack3A_78, %stack3A_79, %stack3A_80 in 1 : vector<384x1x128xi32>, vector<384x1x128xi32>, vector<384x1x128xi32>, vector<384x1x128xi32>, vector<384x1x128xi32>, vector<384x1x128xi32>, vector<384x1x128xi32> -> vector<384x7x128xi32>
    %reshape3A_82 = vector.shape_cast %stack3A_81 : vector<384x7x128xi32> to vector<2688x128xi32>
    %swap3A = arith.constant 0 : index
    %swap3A_83 = arith.constant 0 : index
    %swap3A_84 = vector.load %arg3[%swap3A, %swap3A_83] : memref<2688x128xi32, #tpu.memory_space<vmem>>, vector<2688x128xi32>
    tpu.vector_store %arg3[%swap3A, %swap3A_83], %reshape3A_82 {strides = array<i32>} : memref<2688x128xi32, #tpu.memory_space<vmem>>, vector<2688x128xi32>,
    %reshape3A_85 = vector.shape_cast %get3A_6 : vector<16x192x112xf32> to vector<3072x112xf32>
    %reshape3A_86 = vector.shape_cast %reshape3A_85 : vector<3072x112xf32> to vector<384x8x112xf32>
    %slice3A_87 = vector.extract_strided_slice %reshape3A_86 {offsets = [0, 0, 0], sizes = [384, 1, 112], strides = [1, 1, 1]} : vector<384x8x112xf32> to vector<384x1x112xf32>
    %squeeze3A_88 = vector.shape_cast %slice3A_87 : vector<384x1x112xf32> to vector<384x112xf32>
    %slice3A_89 = vector.extract_strided_slice %reshape3A_86 {offsets = [0, 1, 0], sizes = [384, 1, 16], strides = [1, 1, 1]} : vector<384x8x112xf32> to vector<384x1x16xf32>
    %squeeze3A_90 = vector.shape_cast %slice3A_89 : vector<384x1x16xf32> to vector<384x16xf32>
    %concatenate3A_91 = tpu.concatenate %squeeze3A_88, %squeeze3A_90 in 1 : vector<384x112xf32>, vector<384x16xf32> -> vector<384x128xf32>
    %slice3A_92 = vector.extract_strided_slice %reshape3A_86 {offsets = [0, 1, 16], sizes = [384, 1, 96], strides = [1, 1, 1]} : vector<384x8x112xf32> to vector<384x1x96xf32>
    %squeeze3A_93 = vector.shape_cast %slice3A_92 : vector<384x1x96xf32> to vector<384x96xf32>
    %slice3A_94 = vector.extract_strided_slice %reshape3A_86 {offsets = [0, 2, 0], sizes = [384, 1, 32], strides = [1, 1, 1]} : vector<384x8x112xf32> to vector<384x1x32xf32>
    %squeeze3A_95 = vector.shape_cast %slice3A_94 : vector<384x1x32xf32> to vector<384x32xf32>
    %concatenate3A_96 = tpu.concatenate %squeeze3A_93, %squeeze3A_95 in 1 : vector<384x96xf32>, vector<384x32xf32> -> vector<384x128xf32>
    %slice3A_97 = vector.extract_strided_slice %reshape3A_86 {offsets = [0, 2, 32], sizes = [384, 1, 80], strides = [1, 1, 1]} : vector<384x8x112xf32> to vector<384x1x80xf32>
    %squeeze3A_98 = vector.shape_cast %slice3A_97 : vector<384x1x80xf32> to vector<384x80xf32>
    %slice3A_99 = vector.extract_strided_slice %reshape3A_86 {offsets = [0, 3, 0], sizes = [384, 1, 48], strides = [1, 1, 1]} : vector<384x8x112xf32> to vector<384x1x48xf32>
    %squeeze3A_100 = vector.shape_cast %slice3A_99 : vector<384x1x48xf32> to vector<384x48xf32>
    %concatenate3A_101 = tpu.concatenate %squeeze3A_98, %squeeze3A_100 in 1 : vector<384x80xf32>, vector<384x48xf32> -> vector<384x128xf32>
    %slice3A_102 = vector.extract_strided_slice %reshape3A_86 {offsets = [0, 3, 48], sizes = [384, 1, 64], strides = [1, 1, 1]} : vector<384x8x112xf32> to vector<384x1x64xf32>
    %squeeze3A_103 = vector.shape_cast %slice3A_102 : vector<384x1x64xf32> to vector<384x64xf32>
    %slice3A_104 = vector.extract_strided_slice %reshape3A_86 {offsets = [0, 4, 0], sizes = [384, 1, 64], strides = [1, 1, 1]} : vector<384x8x112xf32> to vector<384x1x64xf32>
    %squeeze3A_105 = vector.shape_cast %slice3A_104 : vector<384x1x64xf32> to vector<384x64xf32>
    %concatenate3A_106 = tpu.concatenate %squeeze3A_103, %squeeze3A_105 in 1 : vector<384x64xf32>, vector<384x64xf32> -> vector<384x128xf32>
    %slice3A_107 = vector.extract_strided_slice %reshape3A_86 {offsets = [0, 4, 64], sizes = [384, 1, 48], strides = [1, 1, 1]} : vector<384x8x112xf32> to vector<384x1x48xf32>
    %squeeze3A_108 = vector.shape_cast %slice3A_107 : vector<384x1x48xf32> to vector<384x48xf32>
    %slice3A_109 = vector.extract_strided_slice %reshape3A_86 {offsets = [0, 5, 0], sizes = [384, 1, 80], strides = [1, 1, 1]} : vector<384x8x112xf32> to vector<384x1x80xf32>
    %squeeze3A_110 = vector.shape_cast %slice3A_109 : vector<384x1x80xf32> to vector<384x80xf32>
    %concatenate3A_111 = tpu.concatenate %squeeze3A_108, %squeeze3A_110 in 1 : vector<384x48xf32>, vector<384x80xf32> -> vector<384x128xf32>
    %slice3A_112 = vector.extract_strided_slice %reshape3A_86 {offsets = [0, 5, 80], sizes = [384, 1, 32], strides = [1, 1, 1]} : vector<384x8x112xf32> to vector<384x1x32xf32>
    %squeeze3A_113 = vector.shape_cast %slice3A_112 : vector<384x1x32xf32> to vector<384x32xf32>
    %slice3A_114 = vector.extract_strided_slice %reshape3A_86 {offsets = [0, 6, 0], sizes = [384, 1, 96], strides = [1, 1, 1]} : vector<384x8x112xf32> to vector<384x1x96xf32>
    %squeeze3A_115 = vector.shape_cast %slice3A_114 : vector<384x1x96xf32> to vector<384x96xf32>
    %concatenate3A_116 = tpu.concatenate %squeeze3A_113, %squeeze3A_115 in 1 : vector<384x32xf32>, vector<384x96xf32> -> vector<384x128xf32>
    %slice3A_117 = vector.extract_strided_slice %reshape3A_86 {offsets = [0, 6, 96], sizes = [384, 1, 16], strides = [1, 1, 1]} : vector<384x8x112xf32> to vector<384x1x16xf32>
    %squeeze3A_118 = vector.shape_cast %slice3A_117 : vector<384x1x16xf32> to vector<384x16xf32>
    %slice3A_119 = vector.extract_strided_slice %reshape3A_86 {offsets = [0, 7, 0], sizes = [384, 1, 112], strides = [1, 1, 1]} : vector<384x8x112xf32> to vector<384x1x112xf32>
    %squeeze3A_120 = vector.shape_cast %slice3A_119 : vector<384x1x112xf32> to vector<384x112xf32>
    %concatenate3A_121 = tpu.concatenate %squeeze3A_118, %squeeze3A_120 in 1 : vector<384x16xf32>, vector<384x112xf32> -> vector<384x128xf32>
    %stack3A_122 = vector.shape_cast %concatenate3A_91 : vector<384x128xf32> to vector<384x1x128xf32>
    %stack3A_123 = vector.shape_cast %concatenate3A_96 : vector<384x128xf32> to vector<384x1x128xf32>
    %stack3A_124 = vector.shape_cast %concatenate3A_101 : vector<384x128xf32> to vector<384x1x128xf32>
    %stack3A_125 = vector.shape_cast %concatenate3A_106 : vector<384x128xf32> to vector<384x1x128xf32>
    %stack3A_126 = vector.shape_cast %concatenate3A_111 : vector<384x128xf32> to vector<384x1x128xf32>
    %stack3A_127 = vector.shape_cast %concatenate3A_116 : vector<384x128xf32> to vector<384x1x128xf32>
    %stack3A_128 = vector.shape_cast %concatenate3A_121 : vector<384x128xf32> to vector<384x1x128xf32>
    %stack3A_129 = tpu.concatenate %stack3A_122, %stack3A_123, %stack3A_124, %stack3A_125, %stack3A_126, %stack3A_127, %stack3A_128 in 1 : vector<384x1x128xf32>, vector<384x1x128xf32>, vector<384x1x128xf32>, vector<384x1x128xf32>, vector<384x1x128xf32>, vector<384x1x128xf32>, vector<384x1x128xf32> -> vector<384x7x128xf32>
    %reshape3A_130 = vector.shape_cast %stack3A_129 : vector<384x7x128xf32> to vector<2688x128xf32>
    %swap3A_131 = arith.constant 0 : index
    %swap3A_132 = arith.constant 0 : index
    %swap3A_133 = vector.load %arg4[%swap3A_131, %swap3A_132] : memref<2688x128xf32, #tpu.memory_space<vmem>>, vector<2688x128xf32>
    tpu.vector_store %arg4[%swap3A_131, %swap3A_132], %reshape3A_130 {strides = array<i32>} : memref<2688x128xf32, #tpu.memory_space<vmem>>, vector<2688x128xf32>,
    return
  }
  func.func @transform_0(%arg0: i32) -> (i32, i32, i32) {
    %add3A = arith.constant 0 : i32
    %add3A_0 = arith.addi %arg0, %add3A : i32
    %c0_i32 = arith.constant 0 : i32
    %c0_i32_1 = arith.constant 0 : i32
    %c0_i32_2 = arith.constant 0 : i32
    return %add3A_0, %c0_i32, %c0_i32_1 : i32, i32, i32
  }
  func.func @transform_1(%arg0: i32) -> (i32, i32, i32) {
    %add3A = arith.constant 0 : i32
    %add3A_0 = arith.addi %arg0, %add3A : i32
    %c0_i32 = arith.constant 0 : i32
    %c0_i32_1 = arith.constant 0 : i32
    %c0_i32_2 = arith.constant 0 : i32
    return %add3A_0, %c0_i32, %c0_i32_1 : i32, i32, i32
  }
  func.func @transform_2(%arg0: i32) -> (i32, i32) {
    %c0_i32 = arith.constant 0 : i32
    %c0_i32_0 = arith.constant 0 : i32
    return %arg0, %c0_i32 : i32, i32
  }
  func.func @transform_3(%arg0: i32) -> (i32, i32) {
    %c0_i32 = arith.constant 0 : i32
    %c0_i32_0 = arith.constant 0 : i32
    return %arg0, %c0_i32 : i32, i32
  }
}

module attributes {stable_mosaic.version = 14 : i64} {
  func.func @_post_body(%arg0: i32, %arg1: memref<3584x128xf32, #tpu.memory_space<vmem>>, %arg2: memref<2048x224xf32, #tpu.memory_space<vmem>>) attributes {dimension_semantics = [#tpu.dimension_semantics<arbitrary>], iteration_bounds = array<i64: 42>, scalar_prefetch = 0 : i64, scratch_operands = 0 : i64, tpu.core_type = #tpu.core_type<tc>, window_params = [{transform_indices = @transform_0, window_bounds = array<i64: 3584, 128>}, {transform_indices = @transform_1, window_bounds = array<i64: 2048, 224>}]} {
    %get3A = arith.constant 0 : index
    %get3A_0 = arith.constant 0 : index
    %get3A_1 = vector.load %arg1[%get3A, %get3A_0] : memref<3584x128xf32, #tpu.memory_space<vmem>>, vector<3584x128xf32>
    %reshape3A = vector.shape_cast %get3A_1 : vector<3584x128xf32> to vector<512x7x128xf32>
    %slice3A = vector.extract_strided_slice %reshape3A {offsets = [0, 0, 0], sizes = [512, 1, 128], strides = [1, 1, 1]} : vector<512x7x128xf32> to vector<512x1x128xf32>
    %squeeze3A = vector.shape_cast %slice3A : vector<512x1x128xf32> to vector<512x128xf32>
    %slice3A_2 = vector.extract_strided_slice %reshape3A {offsets = [0, 1, 0], sizes = [512, 1, 96], strides = [1, 1, 1]} : vector<512x7x128xf32> to vector<512x1x96xf32>
    %squeeze3A_3 = vector.shape_cast %slice3A_2 : vector<512x1x96xf32> to vector<512x96xf32>
    %concatenate3A = tpu.concatenate %squeeze3A, %squeeze3A_3 in 1 : vector<512x128xf32>, vector<512x96xf32> -> vector<512x224xf32>
    %slice3A_4 = vector.extract_strided_slice %reshape3A {offsets = [0, 1, 96], sizes = [512, 1, 32], strides = [1, 1, 1]} : vector<512x7x128xf32> to vector<512x1x32xf32>
    %squeeze3A_5 = vector.shape_cast %slice3A_4 : vector<512x1x32xf32> to vector<512x32xf32>
    %slice3A_6 = vector.extract_strided_slice %reshape3A {offsets = [0, 2, 0], sizes = [512, 1, 128], strides = [1, 1, 1]} : vector<512x7x128xf32> to vector<512x1x128xf32>
    %squeeze3A_7 = vector.shape_cast %slice3A_6 : vector<512x1x128xf32> to vector<512x128xf32>
    %slice3A_8 = vector.extract_strided_slice %reshape3A {offsets = [0, 3, 0], sizes = [512, 1, 64], strides = [1, 1, 1]} : vector<512x7x128xf32> to vector<512x1x64xf32>
    %squeeze3A_9 = vector.shape_cast %slice3A_8 : vector<512x1x64xf32> to vector<512x64xf32>
    %concatenate3A_10 = tpu.concatenate %squeeze3A_5, %squeeze3A_7, %squeeze3A_9 in 1 : vector<512x32xf32>, vector<512x128xf32>, vector<512x64xf32> -> vector<512x224xf32>
    %slice3A_11 = vector.extract_strided_slice %reshape3A {offsets = [0, 3, 64], sizes = [512, 1, 64], strides = [1, 1, 1]} : vector<512x7x128xf32> to vector<512x1x64xf32>
    %squeeze3A_12 = vector.shape_cast %slice3A_11 : vector<512x1x64xf32> to vector<512x64xf32>
    %slice3A_13 = vector.extract_strided_slice %reshape3A {offsets = [0, 4, 0], sizes = [512, 1, 128], strides = [1, 1, 1]} : vector<512x7x128xf32> to vector<512x1x128xf32>
    %squeeze3A_14 = vector.shape_cast %slice3A_13 : vector<512x1x128xf32> to vector<512x128xf32>
    %slice3A_15 = vector.extract_strided_slice %reshape3A {offsets = [0, 5, 0], sizes = [512, 1, 32], strides = [1, 1, 1]} : vector<512x7x128xf32> to vector<512x1x32xf32>
    %squeeze3A_16 = vector.shape_cast %slice3A_15 : vector<512x1x32xf32> to vector<512x32xf32>
    %concatenate3A_17 = tpu.concatenate %squeeze3A_12, %squeeze3A_14, %squeeze3A_16 in 1 : vector<512x64xf32>, vector<512x128xf32>, vector<512x32xf32> -> vector<512x224xf32>
    %slice3A_18 = vector.extract_strided_slice %reshape3A {offsets = [0, 5, 32], sizes = [512, 1, 96], strides = [1, 1, 1]} : vector<512x7x128xf32> to vector<512x1x96xf32>
    %squeeze3A_19 = vector.shape_cast %slice3A_18 : vector<512x1x96xf32> to vector<512x96xf32>
    %slice3A_20 = vector.extract_strided_slice %reshape3A {offsets = [0, 6, 0], sizes = [512, 1, 128], strides = [1, 1, 1]} : vector<512x7x128xf32> to vector<512x1x128xf32>
    %squeeze3A_21 = vector.shape_cast %slice3A_20 : vector<512x1x128xf32> to vector<512x128xf32>
    %concatenate3A_22 = tpu.concatenate %squeeze3A_19, %squeeze3A_21 in 1 : vector<512x96xf32>, vector<512x128xf32> -> vector<512x224xf32>
    %stack3A = vector.shape_cast %concatenate3A : vector<512x224xf32> to vector<512x1x224xf32>
    %stack3A_23 = vector.shape_cast %concatenate3A_10 : vector<512x224xf32> to vector<512x1x224xf32>
    %stack3A_24 = vector.shape_cast %concatenate3A_17 : vector<512x224xf32> to vector<512x1x224xf32>
    %stack3A_25 = vector.shape_cast %concatenate3A_22 : vector<512x224xf32> to vector<512x1x224xf32>
    %stack3A_26 = tpu.concatenate %stack3A, %stack3A_23, %stack3A_24, %stack3A_25 in 1 : vector<512x1x224xf32>, vector<512x1x224xf32>, vector<512x1x224xf32>, vector<512x1x224xf32> -> vector<512x4x224xf32>
    %reshape3A_27 = vector.shape_cast %stack3A_26 : vector<512x4x224xf32> to vector<2048x224xf32>
    %swap3A = arith.constant 0 : index
    %swap3A_28 = arith.constant 0 : index
    %swap3A_29 = vector.load %arg2[%swap3A, %swap3A_28] : memref<2048x224xf32, #tpu.memory_space<vmem>>, vector<2048x224xf32>
    tpu.vector_store %arg2[%swap3A, %swap3A_28], %reshape3A_27 {strides = array<i32>} : memref<2048x224xf32, #tpu.memory_space<vmem>>, vector<2048x224xf32>,
    return
  }
  func.func @transform_0(%arg0: i32) -> (i32, i32) {
    %c0_i32 = arith.constant 0 : i32
    %c0_i32_0 = arith.constant 0 : i32
    return %arg0, %c0_i32 : i32, i32
  }
  func.func @transform_1(%arg0: i32) -> (i32, i32) {
    %c0_i32 = arith.constant 0 : i32
    %c0_i32_0 = arith.constant 0 : i32
    return %arg0, %c0_i32 : i32, i32
  }
}

module attributes {stable_mosaic.version = 14 : i64} {
  func.func @_pre_body(%arg0: i32, %arg1: memref<16x192x112xi32, #tpu.memory_space<vmem>>, %arg2: memref<16x192x112xf32, #tpu.memory_space<vmem>>, %arg3: memref<2688x128xi32, #tpu.memory_space<vmem>>, %arg4: memref<2688x128xf32, #tpu.memory_space<vmem>>) attributes {dimension_semantics = [#tpu.dimension_semantics<arbitrary>], iteration_bounds = array<i64: 14>, scalar_prefetch = 0 : i64, scratch_operands = 0 : i64, tpu.core_type = #tpu.core_type<tc>, window_params = [{transform_indices = @transform_0, window_bounds = array<i64: 16, 192, 112>}, {transform_indices = @transform_1, window_bounds = array<i64: 16, 192, 112>}, {transform_indices = @transform_2, window_bounds = array<i64: 2688, 128>}, {transform_indices = @transform_3, window_bounds = array<i64: 2688, 128>}]} {
    %get3A = arith.constant 0 : index
    %get3A_0 = arith.constant 0 : index
    %get3A_1 = arith.constant 0 : index
    %get3A_2 = vector.load %arg1[%get3A, %get3A_0, %get3A_1] : memref<16x192x112xi32, #tpu.memory_space<vmem>>, vector<16x192x112xi32>
    %get3A_3 = arith.constant 0 : index
    %get3A_4 = arith.constant 0 : index
    %get3A_5 = arith.constant 0 : index
    %get3A_6 = vector.load %arg2[%get3A_3, %get3A_4, %get3A_5] : memref<16x192x112xf32, #tpu.memory_space<vmem>>, vector<16x192x112xf32>
    %iota3A = tpu.iota {dimensions = array<i32: 1>} : vector<16x192x112xi32>
    %shift_right_arithmetic3A = arith.constant 6 : i32
    %shift_right_arithmetic3A_7 = vector.broadcast %shift_right_arithmetic3A : i32 to vector<16x192x112xi32>
    %shift_right_arithmetic3A_8 = arith.shrsi %get3A_2, %shift_right_arithmetic3A_7 : vector<16x192x112xi32>
    %shift_right_logical3A = arith.constant 16 : i32
    %shift_right_logical3A_9 = vector.broadcast %shift_right_logical3A : i32 to vector<16x192x112xi32>
    %shift_right_logical3A_10 = arith.shrui %shift_right_arithmetic3A_8, %shift_right_logical3A_9 : vector<16x192x112xi32>
    %and3A = arith.constant 65535 : i32
    %and3A_11 = vector.broadcast %and3A : i32 to vector<16x192x112xi32>
    %and3A_12 = arith.andi %shift_right_arithmetic3A_8, %and3A_11 : vector<16x192x112xi32>
    %add3A = arith.addi %and3A_12, %shift_right_logical3A_10 : vector<16x192x112xi32>
    %mul3A = arith.constant 21845 : i32
    %mul3A_13 = vector.broadcast %mul3A : i32 to vector<16x192x112xi32>
    %mul3A_14 = arith.muli %mul3A_13, %shift_right_logical3A_10 : vector<16x192x112xi32>
    %mul3A_15 = arith.constant 43691 : i32
    %mul3A_16 = vector.broadcast %mul3A_15 : i32 to vector<16x192x112xi32>
    %mul3A_17 = arith.muli %add3A, %mul3A_16 : vector<16x192x112xi32>
    %shift_right_logical3A_18 = arith.constant 17 : i32
    %shift_right_logical3A_19 = vector.broadcast %shift_right_logical3A_18 : i32 to vector<16x192x112xi32>
    %shift_right_logical3A_20 = arith.shrui %mul3A_17, %shift_right_logical3A_19 : vector<16x192x112xi32>
    %add3A_21 = arith.addi %mul3A_14, %shift_right_logical3A_20 : vector<16x192x112xi32>
    %shift_right_arithmetic3A_22 = arith.constant 5 : i32
    %shift_right_arithmetic3A_23 = vector.broadcast %shift_right_arithmetic3A_22 : i32 to vector<16x192x112xi32>
    %shift_right_arithmetic3A_24 = arith.shrsi %add3A_21, %shift_right_arithmetic3A_23 : vector<16x192x112xi32>
    %mul3A_25 = arith.constant 9363 : i32
    %mul3A_26 = vector.broadcast %mul3A_25 : i32 to vector<16x192x112xi32>
    %mul3A_27 = arith.muli %shift_right_arithmetic3A_24, %mul3A_26 : vector<16x192x112xi32>
    %shift_right_arithmetic3A_28 = arith.constant 16 : i32
    %shift_right_arithmetic3A_29 = vector.broadcast %shift_right_arithmetic3A_28 : i32 to vector<16x192x112xi32>
    %shift_right_arithmetic3A_30 = arith.shrsi %mul3A_27, %shift_right_arithmetic3A_29 : vector<16x192x112xi32>
    %mul3A_31 = arith.constant 224 : i32
    %mul3A_32 = vector.broadcast %mul3A_31 : i32 to vector<16x192x112xi32>
    %mul3A_33 = arith.muli %shift_right_arithmetic3A_30, %mul3A_32 : vector<16x192x112xi32>
    %sub3A = arith.subi %add3A_21, %mul3A_33 : vector<16x192x112xi32>
    %mul3A_34 = arith.constant 43008 : i32
    %mul3A_35 = vector.broadcast %mul3A_34 : i32 to vector<16x192x112xi32>
    %mul3A_36 = arith.muli %shift_right_arithmetic3A_30, %mul3A_35 : vector<16x192x112xi32>
    %mul3A_37 = arith.constant 224 : i32
    %mul3A_38 = vector.broadcast %mul3A_37 : i32 to vector<16x192x112xi32>
    %mul3A_39 = arith.muli %iota3A, %mul3A_38 : vector<16x192x112xi32>
    %add3A_40 = arith.addi %mul3A_36, %mul3A_39 : vector<16x192x112xi32>
    %add3A_41 = arith.addi %add3A_40, %sub3A : vector<16x192x112xi32>
    %reshape3A = vector.shape_cast %add3A_41 : vector<16x192x112xi32> to vector<3072x112xi32>
    %reshape3A_42 = vector.shape_cast %reshape3A : vector<3072x112xi32> to vector<384x8x112xi32>
    %slice3A = vector.extract_strided_slice %reshape3A_42 {offsets = [0, 0, 0], sizes = [384, 1, 112], strides = [1, 1, 1]} : vector<384x8x112xi32> to vector<384x1x112xi32>
    %squeeze3A = vector.shape_cast %slice3A : vector<384x1x112xi32> to vector<384x112xi32>
    %slice3A_43 = vector.extract_strided_slice %reshape3A_42 {offsets = [0, 1, 0], sizes = [384, 1, 16], strides = [1, 1, 1]} : vector<384x8x112xi32> to vector<384x1x16xi32>
    %squeeze3A_44 = vector.shape_cast %slice3A_43 : vector<384x1x16xi32> to vector<384x16xi32>
    %concatenate3A = tpu.concatenate %squeeze3A, %squeeze3A_44 in 1 : vector<384x112xi32>, vector<384x16xi32> -> vector<384x128xi32>
    %slice3A_45 = vector.extract_strided_slice %reshape3A_42 {offsets = [0, 1, 16], sizes = [384, 1, 96], strides = [1, 1, 1]} : vector<384x8x112xi32> to vector<384x1x96xi32>
    %squeeze3A_46 = vector.shape_cast %slice3A_45 : vector<384x1x96xi32> to vector<384x96xi32>
    %slice3A_47 = vector.extract_strided_slice %reshape3A_42 {offsets = [0, 2, 0], sizes = [384, 1, 32], strides = [1, 1, 1]} : vector<384x8x112xi32> to vector<384x1x32xi32>
    %squeeze3A_48 = vector.shape_cast %slice3A_47 : vector<384x1x32xi32> to vector<384x32xi32>
    %concatenate3A_49 = tpu.concatenate %squeeze3A_46, %squeeze3A_48 in 1 : vector<384x96xi32>, vector<384x32xi32> -> vector<384x128xi32>
    %slice3A_50 = vector.extract_strided_slice %reshape3A_42 {offsets = [0, 2, 32], sizes = [384, 1, 80], strides = [1, 1, 1]} : vector<384x8x112xi32> to vector<384x1x80xi32>
    %squeeze3A_51 = vector.shape_cast %slice3A_50 : vector<384x1x80xi32> to vector<384x80xi32>
    %slice3A_52 = vector.extract_strided_slice %reshape3A_42 {offsets = [0, 3, 0], sizes = [384, 1, 48], strides = [1, 1, 1]} : vector<384x8x112xi32> to vector<384x1x48xi32>
    %squeeze3A_53 = vector.shape_cast %slice3A_52 : vector<384x1x48xi32> to vector<384x48xi32>
    %concatenate3A_54 = tpu.concatenate %squeeze3A_51, %squeeze3A_53 in 1 : vector<384x80xi32>, vector<384x48xi32> -> vector<384x128xi32>
    %slice3A_55 = vector.extract_strided_slice %reshape3A_42 {offsets = [0, 3, 48], sizes = [384, 1, 64], strides = [1, 1, 1]} : vector<384x8x112xi32> to vector<384x1x64xi32>
    %squeeze3A_56 = vector.shape_cast %slice3A_55 : vector<384x1x64xi32> to vector<384x64xi32>
    %slice3A_57 = vector.extract_strided_slice %reshape3A_42 {offsets = [0, 4, 0], sizes = [384, 1, 64], strides = [1, 1, 1]} : vector<384x8x112xi32> to vector<384x1x64xi32>
    %squeeze3A_58 = vector.shape_cast %slice3A_57 : vector<384x1x64xi32> to vector<384x64xi32>
    %concatenate3A_59 = tpu.concatenate %squeeze3A_56, %squeeze3A_58 in 1 : vector<384x64xi32>, vector<384x64xi32> -> vector<384x128xi32>
    %slice3A_60 = vector.extract_strided_slice %reshape3A_42 {offsets = [0, 4, 64], sizes = [384, 1, 48], strides = [1, 1, 1]} : vector<384x8x112xi32> to vector<384x1x48xi32>
    %squeeze3A_61 = vector.shape_cast %slice3A_60 : vector<384x1x48xi32> to vector<384x48xi32>
    %slice3A_62 = vector.extract_strided_slice %reshape3A_42 {offsets = [0, 5, 0], sizes = [384, 1, 80], strides = [1, 1, 1]} : vector<384x8x112xi32> to vector<384x1x80xi32>
    %squeeze3A_63 = vector.shape_cast %slice3A_62 : vector<384x1x80xi32> to vector<384x80xi32>
    %concatenate3A_64 = tpu.concatenate %squeeze3A_61, %squeeze3A_63 in 1 : vector<384x48xi32>, vector<384x80xi32> -> vector<384x128xi32>
    %slice3A_65 = vector.extract_strided_slice %reshape3A_42 {offsets = [0, 5, 80], sizes = [384, 1, 32], strides = [1, 1, 1]} : vector<384x8x112xi32> to vector<384x1x32xi32>
    %squeeze3A_66 = vector.shape_cast %slice3A_65 : vector<384x1x32xi32> to vector<384x32xi32>
    %slice3A_67 = vector.extract_strided_slice %reshape3A_42 {offsets = [0, 6, 0], sizes = [384, 1, 96], strides = [1, 1, 1]} : vector<384x8x112xi32> to vector<384x1x96xi32>
    %squeeze3A_68 = vector.shape_cast %slice3A_67 : vector<384x1x96xi32> to vector<384x96xi32>
    %concatenate3A_69 = tpu.concatenate %squeeze3A_66, %squeeze3A_68 in 1 : vector<384x32xi32>, vector<384x96xi32> -> vector<384x128xi32>
    %slice3A_70 = vector.extract_strided_slice %reshape3A_42 {offsets = [0, 6, 96], sizes = [384, 1, 16], strides = [1, 1, 1]} : vector<384x8x112xi32> to vector<384x1x16xi32>
    %squeeze3A_71 = vector.shape_cast %slice3A_70 : vector<384x1x16xi32> to vector<384x16xi32>
    %slice3A_72 = vector.extract_strided_slice %reshape3A_42 {offsets = [0, 7, 0], sizes = [384, 1, 112], strides = [1, 1, 1]} : vector<384x8x112xi32> to vector<384x1x112xi32>
    %squeeze3A_73 = vector.shape_cast %slice3A_72 : vector<384x1x112xi32> to vector<384x112xi32>
    %concatenate3A_74 = tpu.concatenate %squeeze3A_71, %squeeze3A_73 in 1 : vector<384x16xi32>, vector<384x112xi32> -> vector<384x128xi32>
    %stack3A = vector.shape_cast %concatenate3A : vector<384x128xi32> to vector<384x1x128xi32>
    %stack3A_75 = vector.shape_cast %concatenate3A_49 : vector<384x128xi32> to vector<384x1x128xi32>
    %stack3A_76 = vector.shape_cast %concatenate3A_54 : vector<384x128xi32> to vector<384x1x128xi32>
    %stack3A_77 = vector.shape_cast %concatenate3A_59 : vector<384x128xi32> to vector<384x1x128xi32>
    %stack3A_78 = vector.shape_cast %concatenate3A_64 : vector<384x128xi32> to vector<384x1x128xi32>
    %stack3A_79 = vector.shape_cast %concatenate3A_69 : vector<384x128xi32> to vector<384x1x128xi32>
    %stack3A_80 = vector.shape_cast %concatenate3A_74 : vector<384x128xi32> to vector<384x1x128xi32>
    %stack3A_81 = tpu.concatenate %stack3A, %stack3A_75, %stack3A_76, %stack3A_77, %stack3A_78, %stack3A_79, %stack3A_80 in 1 : vector<384x1x128xi32>, vector<384x1x128xi32>, vector<384x1x128xi32>, vector<384x1x128xi32>, vector<384x1x128xi32>, vector<384x1x128xi32>, vector<384x1x128xi32> -> vector<384x7x128xi32>
    %reshape3A_82 = vector.shape_cast %stack3A_81 : vector<384x7x128xi32> to vector<2688x128xi32>
    %swap3A = arith.constant 0 : index
    %swap3A_83 = arith.constant 0 : index
    %swap3A_84 = vector.load %arg3[%swap3A, %swap3A_83] : memref<2688x128xi32, #tpu.memory_space<vmem>>, vector<2688x128xi32>
    tpu.vector_store %arg3[%swap3A, %swap3A_83], %reshape3A_82 {strides = array<i32>} : memref<2688x128xi32, #tpu.memory_space<vmem>>, vector<2688x128xi32>,
    %reshape3A_85 = vector.shape_cast %get3A_6 : vector<16x192x112xf32> to vector<3072x112xf32>
    %reshape3A_86 = vector.shape_cast %reshape3A_85 : vector<3072x112xf32> to vector<384x8x112xf32>
    %slice3A_87 = vector.extract_strided_slice %reshape3A_86 {offsets = [0, 0, 0], sizes = [384, 1, 112], strides = [1, 1, 1]} : vector<384x8x112xf32> to vector<384x1x112xf32>
    %squeeze3A_88 = vector.shape_cast %slice3A_87 : vector<384x1x112xf32> to vector<384x112xf32>
    %slice3A_89 = vector.extract_strided_slice %reshape3A_86 {offsets = [0, 1, 0], sizes = [384, 1, 16], strides = [1, 1, 1]} : vector<384x8x112xf32> to vector<384x1x16xf32>
    %squeeze3A_90 = vector.shape_cast %slice3A_89 : vector<384x1x16xf32> to vector<384x16xf32>
    %concatenate3A_91 = tpu.concatenate %squeeze3A_88, %squeeze3A_90 in 1 : vector<384x112xf32>, vector<384x16xf32> -> vector<384x128xf32>
    %slice3A_92 = vector.extract_strided_slice %reshape3A_86 {offsets = [0, 1, 16], sizes = [384, 1, 96], strides = [1, 1, 1]} : vector<384x8x112xf32> to vector<384x1x96xf32>
    %squeeze3A_93 = vector.shape_cast %slice3A_92 : vector<384x1x96xf32> to vector<384x96xf32>
    %slice3A_94 = vector.extract_strided_slice %reshape3A_86 {offsets = [0, 2, 0], sizes = [384, 1, 32], strides = [1, 1, 1]} : vector<384x8x112xf32> to vector<384x1x32xf32>
    %squeeze3A_95 = vector.shape_cast %slice3A_94 : vector<384x1x32xf32> to vector<384x32xf32>
    %concatenate3A_96 = tpu.concatenate %squeeze3A_93, %squeeze3A_95 in 1 : vector<384x96xf32>, vector<384x32xf32> -> vector<384x128xf32>
    %slice3A_97 = vector.extract_strided_slice %reshape3A_86 {offsets = [0, 2, 32], sizes = [384, 1, 80], strides = [1, 1, 1]} : vector<384x8x112xf32> to vector<384x1x80xf32>
    %squeeze3A_98 = vector.shape_cast %slice3A_97 : vector<384x1x80xf32> to vector<384x80xf32>
    %slice3A_99 = vector.extract_strided_slice %reshape3A_86 {offsets = [0, 3, 0], sizes = [384, 1, 48], strides = [1, 1, 1]} : vector<384x8x112xf32> to vector<384x1x48xf32>
    %squeeze3A_100 = vector.shape_cast %slice3A_99 : vector<384x1x48xf32> to vector<384x48xf32>
    %concatenate3A_101 = tpu.concatenate %squeeze3A_98, %squeeze3A_100 in 1 : vector<384x80xf32>, vector<384x48xf32> -> vector<384x128xf32>
    %slice3A_102 = vector.extract_strided_slice %reshape3A_86 {offsets = [0, 3, 48], sizes = [384, 1, 64], strides = [1, 1, 1]} : vector<384x8x112xf32> to vector<384x1x64xf32>
    %squeeze3A_103 = vector.shape_cast %slice3A_102 : vector<384x1x64xf32> to vector<384x64xf32>
    %slice3A_104 = vector.extract_strided_slice %reshape3A_86 {offsets = [0, 4, 0], sizes = [384, 1, 64], strides = [1, 1, 1]} : vector<384x8x112xf32> to vector<384x1x64xf32>
    %squeeze3A_105 = vector.shape_cast %slice3A_104 : vector<384x1x64xf32> to vector<384x64xf32>
    %concatenate3A_106 = tpu.concatenate %squeeze3A_103, %squeeze3A_105 in 1 : vector<384x64xf32>, vector<384x64xf32> -> vector<384x128xf32>
    %slice3A_107 = vector.extract_strided_slice %reshape3A_86 {offsets = [0, 4, 64], sizes = [384, 1, 48], strides = [1, 1, 1]} : vector<384x8x112xf32> to vector<384x1x48xf32>
    %squeeze3A_108 = vector.shape_cast %slice3A_107 : vector<384x1x48xf32> to vector<384x48xf32>
    %slice3A_109 = vector.extract_strided_slice %reshape3A_86 {offsets = [0, 5, 0], sizes = [384, 1, 80], strides = [1, 1, 1]} : vector<384x8x112xf32> to vector<384x1x80xf32>
    %squeeze3A_110 = vector.shape_cast %slice3A_109 : vector<384x1x80xf32> to vector<384x80xf32>
    %concatenate3A_111 = tpu.concatenate %squeeze3A_108, %squeeze3A_110 in 1 : vector<384x48xf32>, vector<384x80xf32> -> vector<384x128xf32>
    %slice3A_112 = vector.extract_strided_slice %reshape3A_86 {offsets = [0, 5, 80], sizes = [384, 1, 32], strides = [1, 1, 1]} : vector<384x8x112xf32> to vector<384x1x32xf32>
    %squeeze3A_113 = vector.shape_cast %slice3A_112 : vector<384x1x32xf32> to vector<384x32xf32>
    %slice3A_114 = vector.extract_strided_slice %reshape3A_86 {offsets = [0, 6, 0], sizes = [384, 1, 96], strides = [1, 1, 1]} : vector<384x8x112xf32> to vector<384x1x96xf32>
    %squeeze3A_115 = vector.shape_cast %slice3A_114 : vector<384x1x96xf32> to vector<384x96xf32>
    %concatenate3A_116 = tpu.concatenate %squeeze3A_113, %squeeze3A_115 in 1 : vector<384x32xf32>, vector<384x96xf32> -> vector<384x128xf32>
    %slice3A_117 = vector.extract_strided_slice %reshape3A_86 {offsets = [0, 6, 96], sizes = [384, 1, 16], strides = [1, 1, 1]} : vector<384x8x112xf32> to vector<384x1x16xf32>
    %squeeze3A_118 = vector.shape_cast %slice3A_117 : vector<384x1x16xf32> to vector<384x16xf32>
    %slice3A_119 = vector.extract_strided_slice %reshape3A_86 {offsets = [0, 7, 0], sizes = [384, 1, 112], strides = [1, 1, 1]} : vector<384x8x112xf32> to vector<384x1x112xf32>
    %squeeze3A_120 = vector.shape_cast %slice3A_119 : vector<384x1x112xf32> to vector<384x112xf32>
    %concatenate3A_121 = tpu.concatenate %squeeze3A_118, %squeeze3A_120 in 1 : vector<384x16xf32>, vector<384x112xf32> -> vector<384x128xf32>
    %stack3A_122 = vector.shape_cast %concatenate3A_91 : vector<384x128xf32> to vector<384x1x128xf32>
    %stack3A_123 = vector.shape_cast %concatenate3A_96 : vector<384x128xf32> to vector<384x1x128xf32>
    %stack3A_124 = vector.shape_cast %concatenate3A_101 : vector<384x128xf32> to vector<384x1x128xf32>
    %stack3A_125 = vector.shape_cast %concatenate3A_106 : vector<384x128xf32> to vector<384x1x128xf32>
    %stack3A_126 = vector.shape_cast %concatenate3A_111 : vector<384x128xf32> to vector<384x1x128xf32>
    %stack3A_127 = vector.shape_cast %concatenate3A_116 : vector<384x128xf32> to vector<384x1x128xf32>
    %stack3A_128 = vector.shape_cast %concatenate3A_121 : vector<384x128xf32> to vector<384x1x128xf32>
    %stack3A_129 = tpu.concatenate %stack3A_122, %stack3A_123, %stack3A_124, %stack3A_125, %stack3A_126, %stack3A_127, %stack3A_128 in 1 : vector<384x1x128xf32>, vector<384x1x128xf32>, vector<384x1x128xf32>, vector<384x1x128xf32>, vector<384x1x128xf32>, vector<384x1x128xf32>, vector<384x1x128xf32> -> vector<384x7x128xf32>
    %reshape3A_130 = vector.shape_cast %stack3A_129 : vector<384x7x128xf32> to vector<2688x128xf32>
    %swap3A_131 = arith.constant 0 : index
    %swap3A_132 = arith.constant 0 : index
    %swap3A_133 = vector.load %arg4[%swap3A_131, %swap3A_132] : memref<2688x128xf32, #tpu.memory_space<vmem>>, vector<2688x128xf32>
    tpu.vector_store %arg4[%swap3A_131, %swap3A_132], %reshape3A_130 {strides = array<i32>} : memref<2688x128xf32, #tpu.memory_space<vmem>>, vector<2688x128xf32>,
    return
  }
  func.func @transform_0(%arg0: i32) -> (i32, i32, i32) {
    %add3A = arith.constant 14 : i32
    %add3A_0 = arith.addi %arg0, %add3A : i32
    %c0_i32 = arith.constant 0 : i32
    %c0_i32_1 = arith.constant 0 : i32
    %c0_i32_2 = arith.constant 0 : i32
    return %add3A_0, %c0_i32, %c0_i32_1 : i32, i32, i32
  }
  func.func @transform_1(%arg0: i32) -> (i32, i32, i32) {
    %add3A = arith.constant 14 : i32
    %add3A_0 = arith.addi %arg0, %add3A : i32
    %c0_i32 = arith.constant 0 : i32
    %c0_i32_1 = arith.constant 0 : i32
    %c0_i32_2 = arith.constant 0 : i32
    return %add3A_0, %c0_i32, %c0_i32_1 : i32, i32, i32
  }
  func.func @transform_2(%arg0: i32) -> (i32, i32) {
    %c0_i32 = arith.constant 0 : i32
    %c0_i32_0 = arith.constant 0 : i32
    return %arg0, %c0_i32 : i32, i32
  }
  func.func @transform_3(%arg0: i32) -> (i32, i32) {
    %c0_i32 = arith.constant 0 : i32
    %c0_i32_0 = arith.constant 0 : i32
    return %arg0, %c0_i32 : i32, i32
  }
}

module attributes {stable_mosaic.version = 14 : i64} {
  func.func @_post_body2(%arg0: i32, %arg1: memref<172032x224xf32, #tpu.memory_space<any>>, %arg2: memref<3584x128xf32, #tpu.memory_space<vmem>>, %arg3: memref<2048x224xf32, #tpu.memory_space<vmem>>) attributes {dimension_semantics = [#tpu.dimension_semantics<arbitrary>], iteration_bounds = array<i64: 42>, scalar_prefetch = 0 : i64, scratch_operands = 0 : i64, tpu.core_type = #tpu.core_type<tc>, window_params = [{}, {transform_indices = @transform_1, window_bounds = array<i64: 3584, 128>}, {transform_indices = @transform_2, window_bounds = array<i64: 2048, 224>}]} {
    %get3A = arith.constant 0 : index
    %get3A_0 = arith.constant 0 : index
    %get3A_1 = vector.load %arg2[%get3A, %get3A_0] : memref<3584x128xf32, #tpu.memory_space<vmem>>, vector<3584x128xf32>
    %reshape3A = vector.shape_cast %get3A_1 : vector<3584x128xf32> to vector<512x7x128xf32>
    %slice3A = vector.extract_strided_slice %reshape3A {offsets = [0, 0, 0], sizes = [512, 1, 128], strides = [1, 1, 1]} : vector<512x7x128xf32> to vector<512x1x128xf32>
    %squeeze3A = vector.shape_cast %slice3A : vector<512x1x128xf32> to vector<512x128xf32>
    %slice3A_2 = vector.extract_strided_slice %reshape3A {offsets = [0, 1, 0], sizes = [512, 1, 96], strides = [1, 1, 1]} : vector<512x7x128xf32> to vector<512x1x96xf32>
    %squeeze3A_3 = vector.shape_cast %slice3A_2 : vector<512x1x96xf32> to vector<512x96xf32>
    %concatenate3A = tpu.concatenate %squeeze3A, %squeeze3A_3 in 1 : vector<512x128xf32>, vector<512x96xf32> -> vector<512x224xf32>
    %slice3A_4 = vector.extract_strided_slice %reshape3A {offsets = [0, 1, 96], sizes = [512, 1, 32], strides = [1, 1, 1]} : vector<512x7x128xf32> to vector<512x1x32xf32>
    %squeeze3A_5 = vector.shape_cast %slice3A_4 : vector<512x1x32xf32> to vector<512x32xf32>
    %slice3A_6 = vector.extract_strided_slice %reshape3A {offsets = [0, 2, 0], sizes = [512, 1, 128], strides = [1, 1, 1]} : vector<512x7x128xf32> to vector<512x1x128xf32>
    %squeeze3A_7 = vector.shape_cast %slice3A_6 : vector<512x1x128xf32> to vector<512x128xf32>
    %slice3A_8 = vector.extract_strided_slice %reshape3A {offsets = [0, 3, 0], sizes = [512, 1, 64], strides = [1, 1, 1]} : vector<512x7x128xf32> to vector<512x1x64xf32>
    %squeeze3A_9 = vector.shape_cast %slice3A_8 : vector<512x1x64xf32> to vector<512x64xf32>
    %concatenate3A_10 = tpu.concatenate %squeeze3A_5, %squeeze3A_7, %squeeze3A_9 in 1 : vector<512x32xf32>, vector<512x128xf32>, vector<512x64xf32> -> vector<512x224xf32>
    %slice3A_11 = vector.extract_strided_slice %reshape3A {offsets = [0, 3, 64], sizes = [512, 1, 64], strides = [1, 1, 1]} : vector<512x7x128xf32> to vector<512x1x64xf32>
    %squeeze3A_12 = vector.shape_cast %slice3A_11 : vector<512x1x64xf32> to vector<512x64xf32>
    %slice3A_13 = vector.extract_strided_slice %reshape3A {offsets = [0, 4, 0], sizes = [512, 1, 128], strides = [1, 1, 1]} : vector<512x7x128xf32> to vector<512x1x128xf32>
    %squeeze3A_14 = vector.shape_cast %slice3A_13 : vector<512x1x128xf32> to vector<512x128xf32>
    %slice3A_15 = vector.extract_strided_slice %reshape3A {offsets = [0, 5, 0], sizes = [512, 1, 32], strides = [1, 1, 1]} : vector<512x7x128xf32> to vector<512x1x32xf32>
    %squeeze3A_16 = vector.shape_cast %slice3A_15 : vector<512x1x32xf32> to vector<512x32xf32>
    %concatenate3A_17 = tpu.concatenate %squeeze3A_12, %squeeze3A_14, %squeeze3A_16 in 1 : vector<512x64xf32>, vector<512x128xf32>, vector<512x32xf32> -> vector<512x224xf32>
    %slice3A_18 = vector.extract_strided_slice %reshape3A {offsets = [0, 5, 32], sizes = [512, 1, 96], strides = [1, 1, 1]} : vector<512x7x128xf32> to vector<512x1x96xf32>
    %squeeze3A_19 = vector.shape_cast %slice3A_18 : vector<512x1x96xf32> to vector<512x96xf32>
    %slice3A_20 = vector.extract_strided_slice %reshape3A {offsets = [0, 6, 0], sizes = [512, 1, 128], strides = [1, 1, 1]} : vector<512x7x128xf32> to vector<512x1x128xf32>
    %squeeze3A_21 = vector.shape_cast %slice3A_20 : vector<512x1x128xf32> to vector<512x128xf32>
    %concatenate3A_22 = tpu.concatenate %squeeze3A_19, %squeeze3A_21 in 1 : vector<512x96xf32>, vector<512x128xf32> -> vector<512x224xf32>
    %stack3A = vector.shape_cast %concatenate3A : vector<512x224xf32> to vector<512x1x224xf32>
    %stack3A_23 = vector.shape_cast %concatenate3A_10 : vector<512x224xf32> to vector<512x1x224xf32>
    %stack3A_24 = vector.shape_cast %concatenate3A_17 : vector<512x224xf32> to vector<512x1x224xf32>
    %stack3A_25 = vector.shape_cast %concatenate3A_22 : vector<512x224xf32> to vector<512x1x224xf32>
    %stack3A_26 = tpu.concatenate %stack3A, %stack3A_23, %stack3A_24, %stack3A_25 in 1 : vector<512x1x224xf32>, vector<512x1x224xf32>, vector<512x1x224xf32>, vector<512x1x224xf32> -> vector<512x4x224xf32>
    %reshape3A_27 = vector.shape_cast %stack3A_26 : vector<512x4x224xf32> to vector<2048x224xf32>
    %swap3A = arith.constant 0 : index
    %swap3A_28 = arith.constant 0 : index
    %swap3A_29 = vector.load %arg3[%swap3A, %swap3A_28] : memref<2048x224xf32, #tpu.memory_space<vmem>>, vector<2048x224xf32>
    tpu.vector_store %arg3[%swap3A, %swap3A_28], %reshape3A_27 {strides = array<i32>} : memref<2048x224xf32, #tpu.memory_space<vmem>>, vector<2048x224xf32>,
    return
  }
  func.func @transform_1(%arg0: i32) -> (i32, i32) {
    %c0_i32 = arith.constant 0 : i32
    %c0_i32_0 = arith.constant 0 : i32
    return %arg0, %c0_i32 : i32, i32
  }
  func.func @transform_2(%arg0: i32) -> (i32, i32) {
    %add3A = arith.constant 42 : i32
    %add3A_0 = arith.addi %arg0, %add3A : i32
    %c0_i32 = arith.constant 0 : i32
    %c0_i32_1 = arith.constant 0 : i32
    return %add3A_0, %c0_i32 : i32, i32
  }
}

</mosaic_0001>

<sc_bundles>
// kernel: kernel.11.cloned.1.call-start
scs
__scs_entry_jumppad:
0x0: {  	(pc) =	sbr.rel $0x88, $3  }
0x1: {  	(tag) =	ssettag $0x0;
	lr =	simm.s32 $0x1  }
0x2: {  	[smem:$0x3F9F] =	sst lr;
	_ =	strace $0xD0000000  }
0x3: {  	_ = 	snop  }
0x4: {  	_ = 	snop  }
0x5: {  	_ = 	snop  }
0x6: {  	_ = 	snop  }
0x7: {  	_ = 	snop  }
__scs_overlays_trampoline_lowered:
0x8: {  	[smem:$0x3FAE] =	sst s0  }
0x9: {  	[smem:$0x3FAF] =	sst s1  }
0xa: {  	[smem:$0x3FB0] =	sst s2  }
0xb: {  	[smem:$0x3FB1] =	sst s3  }
0xc: {  	[smem:$0x3FB2] =	sst s4  }
0xd: {  	[smem:$0x3FB3] =	sst s5  }
0xe: {  	[smem:$0x3FB4] =	sst s6  }
0xf: {  	[smem:$0x3FB5] =	sst s7  }
0x10: {  	[smem:$0x3FB6] =	sst s8  }
0x11: {  	[smem:$0x3FB7] =	sst s9;
	s0 =	simm.s32 @!p0 $0x0  }
0x12: {  	s1 =	sld [smem:$0x3F9D];
	s0 =	simm.s32 @p0 $0x1  }
0x13: {  	[smem:$0x3FB8] =	sst s0;
	s0 =	simm.s32 @!p1 $0x0  }
0x14: {  	s2 =	sld [smem:$0x3F9C];
	s0 =	simm.s32 @p1 $0x1  }
0x15: {  	[smem:$0x3FB9] =	sst s0;
	s0 =	simm.s32 @!p2 $0x0  }
0x16: {  	s3 =	sld [smem:$0x3FDB];
	s0 =	simm.s32 @p2 $0x1  }
0x17: {  	s4 =	simm.s32 $0x1BF5;
	[smem:$0x3FBB] =	sst s0  }
0x18: {  	s0 =	sld [smem:$0x3F9E];
	_ =	swait.ge [sflag:s4], $0x0  }
0x19: {  	s7 =	sld [smem:$0x3F9F]  }
0x1a: {  	s8 =	sadd.s32 $0xFFFFE003, lr  }
0x1b: {  	s9 =	sadd.s32 $0xFFFFFEF7, lr;
	s5 =	simm.s32 $0xFFFFFFFF;
	p2 =	slt.u32 s8, $0xFFFFF086  }
0x1c: {  	p1 =	slt.u32 s9, $0xF7A;
	s5 =	simm.s32 @!p2 $0x0  }
0x1d: {  	s5 =	simm.s32 @p1 $0x1;
	p0 =	seq.s32 s7, s2  }
0x1e: {  	s7 =	smul.u32 @!p0 $0xF7A, s2;
	p2 =	seq.s32 @!p0 s5, $0x0  }
0x1f: {  	s9 =	smul.u32 $0xF7A, s1;
	s8 =	simm.s32 @!p0 $0x1BF5;
	p2 =	por !p2, p0  }
0x20: {  	[sflag:s8] =	ssyncset.s32 @!p0 $0xFFFFF086;
	s6 =	sadd.s32 @!p0 s3, s7;
	s7 =	simm.s32 @!p0 $0x108  }
0x21: {  	s3 =	sadd.s32 s3, s9;
	s6 =	sadd.s32 @!p0 $0x88, s6;
	s7 =	simm.s32 @p2 $0x1082  }
0x22: {  	[simem:s7], [sflag:s8] =	dma.local @!p0 [hbm:s6], $0xF7A  }
0x23: {  	s9 =	sor.u32 $0xD0000000, s2;
	s6 =	simm.s32 $0x108;
	_ =	swait.ge @!p0 [sflag:s8], $0x0  }
0x24: {  	s3 =	sadd.s32 $0x88, s3;
	s6 =	simm.s32 @!p1 $0x1082;
	[sflag:s4] =	ssyncset.s32 $0xFFFFF086  }
0x25: {  	[simem:s6], [sflag:s4] =	dma.local [hbm:s3], $0xF7A  }
0x26: {  	[smem:$0x3F9F] =	sst s1;
	(tag) =	ssettag s2;
	_ =	strace s9  }
0x27: {  	s1 =	sld [smem:$0x3FAF]  }
0x28: {  	s2 =	sld [smem:$0x3FB0]  }
0x29: {  	s4 =	sld [smem:$0x3FB2]  }
0x2a: {  	p0 =	seq.s32 s5, $0x0;
	s5 =	sld [smem:$0x3FB3]  }
0x2b: {  	s6 =	sld [smem:$0x3FB4]  }
0x2c: {  	s7 =	sld [smem:$0x3FB5]  }
0x2d: {  	s3 =	simm.s32 $0x108;
	s8 =	sld [smem:$0x3FB6]  }
0x2e: {  	s3 =	simm.s32 @!p0 $0x1082;
	s9 =	sld [smem:$0x3FB7]  }
0x2f: {  	lr =	sadd.s32 s0, s3;
	s0 =	sld [smem:$0x3FAE]  }
0x30: {  	s3 =	sld [smem:$0x3FB1]  }
0x31: {  	[smem:$0x3FBA] =	sst s10  }
0x32: {  	s10 =	sld [smem:$0x3FB8];
	_ =	sdelay $0x3  }
0x33: {  	p0 =	seq.s32 s10, $0x1;
	s10 =	sld [smem:$0x3FBA];
	_ =	sdelay $0x3  }
0x34: {  	[smem:$0x3FBA] =	sst s10  }
0x35: {  	s10 =	sld [smem:$0x3FB9];
	_ =	sdelay $0x3  }
0x36: {  	p1 =	seq.s32 s10, $0x1;
	s10 =	sld [smem:$0x3FBA];
	_ =	sdelay $0x3  }
0x37: {  	[smem:$0x3FBA] =	sst s10  }
0x38: {  	s10 =	sld [smem:$0x3FBB]  }
0x39: {  	_ = 	snop;
	(pc) =	sbr.ind lr, $3  }
0x3a: {  	_ = 	snop  }
0x3b: {  	_ = 	snop  }
0x3c: {  	p2 =	seq.s32 s10, $0x1;
	s10 =	sld [smem:$0x3FBA]  }
0x3d: {  	_ =	shalt  }
0x3e: {  	_ =	shalt  }
0x3f: {  	_ =	shalt  }
0x40: {  	_ =	shalt  }
0x41: {  	_ =	shalt  }
0x42: {  	_ =	shalt  }
0x43: {  	_ =	shalt  }
0x44: {  	_ =	shalt  }
0x45: {  	_ =	shalt  }
0x46: {  	_ =	shalt  }
0x47: {  	_ =	shalt  }
0x48: {  	_ =	shalt  }
0x49: {  	_ =	shalt  }
0x4a: {  	_ =	shalt  }
0x4b: {  	_ =	shalt  }
0x4c: {  	_ =	shalt  }
0x4d: {  	_ =	shalt  }
0x4e: {  	_ =	shalt  }
0x4f: {  	_ =	shalt  }
0x50: {  	_ =	shalt  }
0x51: {  	_ =	shalt  }
0x52: {  	_ =	shalt  }
0x53: {  	_ =	shalt  }
0x54: {  	_ =	shalt  }
0x55: {  	_ =	shalt  }
0x56: {  	_ =	shalt  }
0x57: {  	_ =	shalt  }
0x58: {  	_ =	shalt  }
0x59: {  	_ =	shalt  }
0x5a: {  	_ =	shalt  }
0x5b: {  	_ =	shalt  }
0x5c: {  	_ =	shalt  }
0x5d: {  	_ =	shalt  }
0x5e: {  	_ =	shalt  }
0x5f: {  	_ =	shalt  }
0x60: {  	_ =	shalt  }
0x61: {  	_ =	shalt  }
0x62: {  	_ =	shalt  }
0x63: {  	_ =	shalt  }
0x64: {  	_ =	shalt  }
0x65: {  	_ =	shalt  }
0x66: {  	_ =	shalt  }
0x67: {  	_ =	shalt  }
0x68: {  	_ =	shalt  }
0x69: {  	_ =	shalt  }
0x6a: {  	_ =	shalt  }
0x6b: {  	_ =	shalt  }
0x6c: {  	_ =	shalt  }
0x6d: {  	_ =	shalt  }
0x6e: {  	_ =	shalt  }
0x6f: {  	_ =	shalt  }
0x70: {  	_ =	shalt  }
0x71: {  	_ =	shalt  }
0x72: {  	_ =	shalt  }
0x73: {  	_ =	shalt  }
0x74: {  	_ =	shalt  }
0x75: {  	_ =	shalt  }
0x76: {  	_ =	shalt  }
0x77: {  	_ =	shalt  }
0x78: {  	_ =	shalt  }
0x79: {  	_ =	shalt  }
0x7a: {  	_ =	shalt  }
0x7b: {  	_ =	shalt  }
0x7c: {  	_ =	shalt  }
0x7d: {  	_ =	shalt  }
0x7e: {  	_ =	shalt  }
0x7f: {  	_ =	shalt  }
0x80: {  	_ =	shalt  }
0x81: {  	_ =	shalt  }
0x82: {  	_ =	shalt  }
0x83: {  	_ =	shalt  }
0x84: {  	_ =	shalt  }
0x85: {  	_ =	shalt  }
0x86: {  	_ =	shalt  }
0x87: {  	_ =	shalt  }
.Lfunc_end0:
.L_simem_size_0:
called_computation.1_lowered:
.L_overlay_start_0:
0x88: {  	s2 =	sld [smem:$0x3FD9]  }
0x89: {  	s3 =	sld [smem:$0x3FFE];
	_ =	sdelay $0x1  }
0x8a: {  	s1 =	srdreg.scid  }
0x8b: {  	s0 =	sand.u32 $0x1, s1  }
0x8c: {  	s17 =	sshll.u32 s0, $0xA;
	s2 =	sadd.s32 s3, s2  }
0x8d: {  	s2 =	sadd.s32 s2, s17  }
0x8e: {  	[smem:$0x3FC6] =	sst s2  }
0x8f: {  	_ = 	snop  }
0x90: {  	(tm) =	ssettm $0x1  }
0x91: {  	s18 =	sld [smem:$0x3FFB];
	_ =	sdelay $0x3  }
0x92: {  	_ =	strace s18  }
0x93: {  	s2 =	sld [smem:$0x3FFC];
	_ =	sdelay $0x3  }
0x94: {  	_ =	strace s2  }
0x95: {  	s2 =	sld [smem:$0x3FFD];
	_ =	sdelay $0x3  }
0x96: {  	_ =	strace s2  }
0x97: {  	_ =	strace $0x8FFFFFFF  }
0x98: {  	s19 =	sld [smem:$0x3FDB];
	_ =	sdelay $0x1  }
0x99: {  	s20 =	simm.s32 $_scs_section_size  }
0x9a: {  	s4 =	simm.s32 $_size__tile_overlayer_lowered;
	s5 =	simm.s32 $_tile_overlayer_lowered  }
0x9b: {  	s6 =	simm.s32 $0x1BFF;
	s21 =	sshll.u32 s5, $0x1;
	s3 =	sadd.s32 s20, s19  }
0x9c: {  	s22 =	simm.s32 $0x0;
	s4 =	sshll.u32 s4, $0x1;
	s5 =	sadd.s32 s21, s3  }
0x9d: {  	[timem:s22], [sflag:s6] =	dma.local [hbm:s5], s4  }
0x9e: {  	_ =	swait.ge [sflag:s6], s4  }
0x9f: {  	s4 =	ssub.s32 $0x0, s4;
	[sflag:s6] =	ssyncset.done $0x0  }
0xa0: {  	[sflag:s6] =	ssyncadd.s32 s4;
	_ =	sdelay $0x1  }
0xa1: {  	s23 =	simm.s32 $0x1B8B  }
0xa2: {  	_ =	swait.ge [sflag:s23], $0x1  }
0xa3: {  	[sflag:s23] =	ssyncset.done $0x0  }
0xa4: {  	[sflag:s23] =	ssyncadd.s32 $0xFFFFFFFF  }
0xa5: {  	s4 =	sld [smem:$0x0]  }
0xa6: {  	s5 =	sand.u32 $0xFFFFFFFE, s1  }
0xa7: {  	p0 =	sne.s32 s1, s5  }
0xa8: {  	s5 =	sshll.u32 @p0 s5, $0xE  }
0xa9: {  	s5 =	sadd.s32 @p0 $0x11B8D, s5;
	s6 =	sshll.u32 @p0 s4, $0x11  }
0xaa: {  	s5 =	sor.u32 @p0 s6, s5  }
0xab: {  	[sflag:s5] =	ssyncadd.remote.s32 @p0 $0x1;
	_ =	sdelay $0x1  }
0xac: {  	s5 =	simm.s32 @p0 $0x1B8D  }
0xad: {  	_ =	swait.eq @p0 [sflag:s5], $0x1  }
0xae: {  	[sflag:s5] =	ssyncadd.s32 @p0 $0xFFFFFFFF  }
0xaf: {  	s6 =	sshll.u32 @!p0 s1, $0xE  }
0xb0: {  	s6 =	sor.u32 @!p0 $0x4000, s6;
	s5 =	simm.s32 @!p0 $0x1B8D  }
0xb1: {  	s4 =	sshll.u32 @!p0 s4, $0x11;
	s6 =	sadd.s32 @!p0 $0x11B8D, s6;
	_ =	swait.eq @!p0 [sflag:s5], $0x1  }
0xb2: {  	s4 =	sor.u32 @!p0 s4, s6;
	[sflag:s5] =	ssyncadd.s32 @!p0 $0xFFFFFFFF  }
0xb3: {  	s25 =	simm.s32 $0x1B8E;
	s24 =	sld [smem:$0x3FFE];
	[sflag:s4] =	ssyncadd.remote.s32 @!p0 $0x1  }
0xb4: {  	s26 =	simm.s32 $execute0_lowered;
	[smem:$0x3FD2] =	sst s25  }
0xb5: {  	s5 =	sshll.u32 s26, $0x1;
	_ =	strace $0x80000049;
	[dreg:$0x1] =	wrdreg $0xFFFFFFFF  }
0xb6: {  	s28 =	simm.s32 $_size_execute0_lowered;
	s3 =	sadd.s32 s3, s5;
	[dreg:$0x0] =	wrdreg $0x0  }
0xb7: {  	s5 =	sshll.u32 s28, $0x1;
	[dreg:$0x2] =	wrdreg s3  }
0xb8: {  	[dreg:$0x3] =	wrdreg s5  }
0xb9: {  	[dreg:$0x4] =	wrdreg $0xC0  }
0xba: {  	_ =	task [dreg:s22], $0x5FFFF  }
0xbb: {  	[dreg:$0x1] =	wrdreg $0xFFFFFFFF  }
0xbc: {  	[dreg:$0x0] =	wrdreg $0x60  }
0xbd: {  	[dreg:$0x2] =	wrdreg s24  }
0xbe: {  	[dreg:$0x3] =	wrdreg $0x0  }
0xbf: {  	[dreg:$0x4] =	wrdreg $0xA  }
0xc0: {  	_ =	task.clear_ibuf [dreg:s22], $0x5FFFF;
	_ =	strace $0x90000049  }
0xc1: {  	s29 =	simm.s32 $0xA;
	_ =	strace $0x8000004B  }
0xc2: {  	_ =	swait.ge [sflag:s29], $0x1  }
0xc3: {  	[sflag:s29] =	ssyncadd.s32 $0xFFFFFFFF  }
0xc4: {  	_ =	strace $0x9000004B  }
0xc5: {  	_ =	sfence  }
0xc6: {  	s30 =	sld [smem:$0x0];
	_ =	sdelay $0x2  }
0xc7: {  	s31 =	sshll.u32 s1, $0xD;
	s1 =	sshrl.u32 s1, $0x2  }
0xc8: {  	s4 =	sand.u32 $0x4000, s31;
	s1 =	sadd.s32 s1, s30  }
0xc9: {  	s0 =	sor.u32 s4, s0;
	s1 =	sshll.u32 s1, $0x11  }
0xca: {  	s0 =	sor.u32 s1, s0  }
0xcb: {  	s0 =	sadd.s32 $0x8F2B, s0  }
0xcc: {  	[sflag:s0] =	ssyncadd.remote.s32 $0x1  }
0xcd: {  	_ =	sfence.sel $0xFFFF  }
0xce: {  	[dreg:$0x0] =	wrdreg $0xFFFFFFFF;
	(pc) =	sbr.abs _section_cstart, $3  }
0xcf: {  	[dreg:$0x1] =	wrdreg $0xFFFFFFFF  }
0xd0: {  	_ =	task.clear_ibuf [dreg:s22], $0x2FFFF;
	_ =	strace $0x9FFFFFFF  }
0xd1: {  	(tm) =	ssettm $0x7FFFFFFF  }
tec
execute0_lowered:
.L_overlay_start_1:
0x0: {  	(tag) =	ssettag $0x1  }
0x1: {  	s0 =	rddreg [dreg:$0x0]  }
0x2: {  	s2 =	rddreg [dreg:$0x1]  }
0x3: {  	s3 =	simm.s32 $0x0;
	s9 =	stileid.u32;
	s1 =	srdreg.scid  }
0x4: {  	s17 =	simm.s32 $0x5;
	s18 =	simm.s32 $0x1E000;
	s19 =	simm.s32 $0x1EC00  }
0x5: {  	s20 =	simm.s32 $0x1E600;
	s21 =	simm.s32 $0x1F200;
	s22 =	simm.s32 $0x1  }
0x6: {  	s23 =	simm.s32 $0x3;
	s24 =	simm.s32 $0x600;
	s28 =	simm.s32 $0x4  }
0x7: {  	[smem:$0x7FF] =	sst s3;
	s10 =	smul.u32 $0x1DC00, s9;
	s5 =	sadd.s32 $0x3AE800, s0  }
0x8: {  	s1 =	sand.u32 $0x1, s1;
	s6 =	sadd.s32 $0x31B800, s0;
	s7 =	sadd.s32 $0x441800, s0  }
0x9: {  	s29 =	smul.u32 $0x24C00, s9;
	s8 =	ssub.s32 $0x2, s1;
	s1 =	sor.u32 $0xA, s1  }
0xa: {  	s30 =	sshll.u32 s9, $0x6;
	_ =	strace $0x8000004A;
	[dreg:$0x4] =	wrdreg s1  }
0xb: {  	s26 =	smul.u32 $0x1C000, s9;
	s12 =	sor.u32 $0x1C05, s30;
	[dreg:$0x5] =	wrdreg s29  }
0xc: {  	s4 =	sshrl.u32 s10, $0x3;
	s25 =	sshrl.u32 s8, $0x1;
	[dreg:$0x3] =	wrdreg s10  }
0xd: {  	s10 =	sadd.s32 s10, s2;
	s31 =	sadd.s32 $0x770000, s26;
	s14 =	sadd.s32 s26, s2  }
0xe: {  	s26 =	simm.s32 $0x2;
	s1 =	simm.s32 $0x0;
	s4 =	sadd.s32 s4, s0  }
0xf: {  	s0 =	ssub.s32 s8, s25;
	[dreg:$0x7] =	wrdreg s31;
	s4 =	sadd.s32 $0x94000, s4  }
0x10: {  	s13 =	smov.u32 s10;
	s0 =	smax.u32 s0, $0x1;
	[dreg:$0x6] =	wrdreg s4  }
0x11: {  	s16 =	sshrl.u32 s10, $0x3;
	s25 =	simm.s32 $0x1F800;
	[dreg:$0x8] =	wrdreg s0  }
.LBB2_1:
0x12: {  	[dreg:$0x9] =	wrdreg s1;
	s30 =	simm.s32 $0x0  }
.LBB2_2:
0x13: {  	s0 =	sshll.u32 s30, $0x1;
	s1 =	rddreg [dreg:$0x4]  }
0x14: {  	s0 =	sadd.s32 s1, s0  }
0x15: {  	s8 =	rddreg [dreg:$0x6];
	s1 =	smulhi.u32 $0x66666667, s0  }
0x16: {  	[spmem:s16], [sflag:s12] =	dma.local [hbm:s8], $0x3B80  }
0x17: {  	s1 =	sshrl.u32 s1, $0x1  }
0x18: {  	s31 =	sadd.s32 $0xFFFFFFFE, s1  }
0x19: {  	_ =	swait.ge [sflag:s17], $0x3B80;
	s4 =	smul.u32 $0x24C000, s31  }
0x1a: {  	s9 =	rddreg [dreg:$0x5]  }
0x1b: {  	[sflag:s17] =	ssyncset.done $0x0;
	s4 =	sadd.s32 s9, s4  }
0x1c: {  	s15 =	simm.s32 $0x0;
	[sflag:s17] =	ssyncadd.s32 $0xFFFFC480;
	s8 =	sshrl.u32 s4, $0x3  }
0x1d: {  	[bflag:$0x0] =	sbarrier.arrive $0xFFFF;
	s1 =	smul.u32 $0x5, s1;
	s9 =	sadd.s32 s5, s8  }
0x1e: {  	[tilespmem:s18], [sflag:$0x1] =	stream.linear.gather [hbm4b:s9+s15], $0x600, $0x38;
	[tilespmem:$0x1FE00] =	vst v63  }
0x1f: {  	s1 =	ssub.s32 s0, s1;
	s10 =	sadd.s32 s6, s8;
	s8 =	sadd.s32 $0xC0, s8  }
0x20: {  	[tilespmem:s19], [sflag:$0x3] =	stream.linear.gather [hbm4b:s10+s15], $0x600, $0x38;
	[tilespmem:$0x1FE00] =	vst v63  }
0x21: {  	s0 =	smul.u32 $0x1DC000, s1;
	s11 =	sadd.s32 s5, s8  }
0x22: {  	[tilespmem:s20], [sflag:$0x2] =	stream.linear.gather [hbm4b:s11+s15], $0x600, $0x38;
	[tilespmem:$0x1FE00] =	vst v63  }
0x23: {  	s29 =	sadd.s32 $0xC00, s4;
	s4 =	sadd.s32 $0x1200, s4;
	s8 =	sadd.s32 s6, s8  }
0x24: {  	v0 =	vmov s0;
	[tilespmem:s21], [sflag:$0x4] =	stream.linear.gather [hbm4b:s8+s15], $0x600, $0x38;
	[tilespmem:$0x1FE00] =	vst v63  }
.LBB2_3:
0x25: {  	_ =	swait.ge [sflag:s22], $0x600  }
0x26: {  	[sflag:s22] =	ssyncset.done $0x0  }
0x27: {  	[sflag:s22] =	ssyncadd.s32 $0xFFFFFA00  }
0x28: {  	_ =	swait.ge [sflag:s23], $0x600  }
0x29: {  	[sflag:s23] =	ssyncset.done $0x0  }
0x2a: {  	s8 =	simm.s32 $0x0;
	[sflag:s23] =	ssyncadd.s32 $0xFFFFFA00  }
0x2b: {  	s9 =	simm.s32 $0x40;
	v1 =	vld [tilespmem:s8+$0x1E000]  }
.LBB2_4:
0x2c: {  	_ =	sdelay $0x1  }
0x2d: {  	p0 =	sne.s32 s9, $0x17C0  }
.Ltmp0:
0x2e: {  	_ = 	snop;
	(pc) =	sbr.rel @p0 .LBB2_4-.Ltmp0, $4  }
0x2f: {  	v2 =	vsub.s32 v1, v0;
	v3 =	vand.u32 $0x3FFF, v1  }
0x30: {  	vm0 =	vlt.u32 v2, $0x1DC000;
	v3 =	vor.u32 $0x1DC000, v3  }
0x31: {  	s10 =	sshra.s32 s9, $0x2;
	v2 =	vsel vm0, v2, v3  }
0x32: {  	s9 =	sadd.s32 $0x40, s9;
	v1 =	vld [tilespmem:s10+$0x1E000];
	[tilespmem:s8+$0x1F800] =	vst v2;
	s8 =	smov.u32 s10  }
0x33: {  	_ =	sdelay $0x3  }
0x34: {  	v2 =	vsub.s32 v1, v0;
	v1 =	vand.u32 $0x3FFF, v1  }
0x35: {  	vm0 =	vlt.u32 v2, $0x1DC000;
	v1 =	vor.u32 $0x1DC000, v1  }
0x36: {  	v1 =	vsel vm0, v2, v1  }
0x37: {  	[tilespmem:s8+$0x1F800] =	vst v1;
	s8 =	smul.u32 $0xC00, s15  }
0x38: {  	[spmem:s2] =	stream.indirect.scatter.add.f32 [tilespmem:s19], [sflag:$0x5], $0x1, s25, s24, $0xb8;
	[tilespmem:$0x1FE00] =	vst v63  }
0x39: {  	_ =	swait.ge [sflag:s17], $0x600;
	s9 =	sadd.s32 s8, s29  }
0x3a: {  	[sflag:s17] =	ssyncset.done $0x0;
	s9 =	sshrl.u32 s9, $0x3  }
0x3b: {  	s11 =	simm.s32 $0x0;
	[sflag:s17] =	ssyncadd.s32 $0xFFFFFA00;
	s10 =	sadd.s32 s5, s9  }
0x3c: {  	[tilespmem:s18], [sflag:$0x1] =	stream.linear.gather [hbm4b:s10+s11], $0x600, $0x38;
	[tilespmem:$0x1FE00] =	vst v63  }
0x3d: {  	s9 =	sadd.s32 s6, s9  }
0x3e: {  	[tilespmem:s19], [sflag:$0x3] =	stream.linear.gather [hbm4b:s9+s11], $0x600, $0x38;
	[tilespmem:$0x1FE00] =	vst v63  }
0x3f: {  	_ =	swait.ge [sflag:s26], $0x600  }
0x40: {  	[sflag:s26] =	ssyncset.done $0x0  }
0x41: {  	[sflag:s26] =	ssyncadd.s32 $0xFFFFFA00  }
0x42: {  	_ =	swait.ge [sflag:s28], $0x600  }
0x43: {  	[sflag:s28] =	ssyncset.done $0x0  }
0x44: {  	s9 =	simm.s32 $0x0;
	[sflag:s28] =	ssyncadd.s32 $0xFFFFFA00  }
0x45: {  	s10 =	simm.s32 $0x40;
	v1 =	vld [tilespmem:s9+$0x1E600]  }
.LBB2_6:
0x46: {  	_ =	sdelay $0x1  }
0x47: {  	p0 =	sne.s32 s10, $0x17C0  }
.Ltmp1:
0x48: {  	_ = 	snop;
	(pc) =	sbr.rel @p0 .LBB2_6-.Ltmp1, $4  }
0x49: {  	v2 =	vsub.s32 v1, v0;
	v3 =	vand.u32 $0x3FFF, v1  }
0x4a: {  	vm0 =	vlt.u32 v2, $0x1DC000;
	v3 =	vor.u32 $0x1DC000, v3  }
0x4b: {  	s11 =	sshra.s32 s10, $0x2;
	v2 =	vsel vm0, v2, v3  }
0x4c: {  	s10 =	sadd.s32 $0x40, s10;
	v1 =	vld [tilespmem:s11+$0x1E600];
	[tilespmem:s9+$0x1F800] =	vst v2;
	s9 =	smov.u32 s11  }
0x4d: {  	_ =	sdelay $0x3  }
0x4e: {  	v2 =	vsub.s32 v1, v0;
	v1 =	vand.u32 $0x3FFF, v1  }
0x4f: {  	vm0 =	vlt.u32 v2, $0x1DC000;
	v1 =	vor.u32 $0x1DC000, v1  }
0x50: {  	v1 =	vsel vm0, v2, v1  }
0x51: {  	s15 =	sadd.s32 $0x1, s15;
	[tilespmem:s9+$0x1F800] =	vst v1  }
0x52: {  	[spmem:s2] =	stream.indirect.scatter.add.f32 [tilespmem:s21], [sflag:$0x5], $0x1, s25, s24, $0xb8;
	[tilespmem:$0x1FE00] =	vst v63  }
0x53: {  	s8 =	sadd.s32 s8, s4;
	p0 =	sne.s32 s15, $0x30;
	_ =	swait.ge [sflag:s17], $0x600  }
.Ltmp2:
0x54: {  	s8 =	sshrl.u32 s8, $0x3;
	[sflag:s17] =	ssyncset.done $0x0;
	(pc) =	sbr.rel @p0 .LBB2_3-.Ltmp2, $4  }
0x55: {  	s11 =	sadd.s32 s5, s8;
	[sflag:s17] =	ssyncadd.s32 $0xFFFFFA00  }
0x56: {  	[tilespmem:s20], [sflag:$0x2] =	stream.linear.gather [hbm4b:s11+s3], $0x600, $0x38;
	[tilespmem:$0x1FE00] =	vst v63  }
0x57: {  	s8 =	sadd.s32 s6, s8  }
0x58: {  	[tilespmem:s21], [sflag:$0x4] =	stream.linear.gather [hbm4b:s8+s3], $0x600, $0x38;
	[tilespmem:$0x1FE00] =	vst v63  }
0x59: {  	_ =	swait.ge [sflag:s22], $0x600  }
0x5a: {  	[sflag:s22] =	ssyncset.done $0x0  }
0x5b: {  	[sflag:s22] =	ssyncadd.s32 $0xFFFFFA00  }
0x5c: {  	_ =	swait.ge [sflag:s23], $0x600  }
0x5d: {  	[sflag:s23] =	ssyncset.done $0x0  }
0x5e: {  	s4 =	simm.s32 $0x0;
	[sflag:s23] =	ssyncadd.s32 $0xFFFFFA00  }
0x5f: {  	s8 =	simm.s32 $0x40;
	v1 =	vld [tilespmem:s4+$0x1E000]  }
.LBB2_9:
0x60: {  	_ =	sdelay $0x1  }
0x61: {  	p0 =	sne.s32 s8, $0x17C0  }
.Ltmp3:
0x62: {  	_ = 	snop;
	(pc) =	sbr.rel @p0 .LBB2_9-.Ltmp3, $4  }
0x63: {  	v2 =	vsub.s32 v1, v0;
	v3 =	vand.u32 $0x3FFF, v1  }
0x64: {  	vm0 =	vlt.u32 v2, $0x1DC000;
	v3 =	vor.u32 $0x1DC000, v3  }
0x65: {  	s9 =	sshra.s32 s8, $0x2;
	v2 =	vsel vm0, v2, v3  }
0x66: {  	s8 =	sadd.s32 $0x40, s8;
	v1 =	vld [tilespmem:s9+$0x1E000];
	[tilespmem:s4+$0x1F800] =	vst v2;
	s4 =	smov.u32 s9  }
0x67: {  	_ =	sdelay $0x3  }
0x68: {  	v2 =	vsub.s32 v1, v0;
	v1 =	vand.u32 $0x3FFF, v1  }
0x69: {  	vm0 =	vlt.u32 v2, $0x1DC000;
	v1 =	vor.u32 $0x1DC000, v1  }
0x6a: {  	v1 =	vsel vm0, v2, v1  }
0x6b: {  	[tilespmem:s4+$0x1F800] =	vst v1  }
0x6c: {  	[spmem:s2] =	stream.indirect.scatter.add.f32 [tilespmem:s19], [sflag:$0x5], $0x1, s25, s24, $0xb8;
	[tilespmem:$0x1FE00] =	vst v63  }
0x6d: {  	_ =	swait.ge [sflag:s17], $0x600  }
0x6e: {  	[sflag:s17] =	ssyncset.done $0x0  }
0x6f: {  	[sflag:s17] =	ssyncadd.s32 $0xFFFFFA00  }
0x70: {  	_ =	swait.ge [sflag:s26], $0x600  }
0x71: {  	[sflag:s26] =	ssyncset.done $0x0  }
0x72: {  	[sflag:s26] =	ssyncadd.s32 $0xFFFFFA00  }
0x73: {  	_ =	swait.ge [sflag:s28], $0x600  }
0x74: {  	[sflag:s28] =	ssyncset.done $0x0  }
0x75: {  	s4 =	simm.s32 $0x0;
	[sflag:s28] =	ssyncadd.s32 $0xFFFFFA00  }
0x76: {  	s8 =	simm.s32 $0x40;
	v1 =	vld [tilespmem:s4+$0x1E600]  }
.LBB2_11:
0x77: {  	_ =	sdelay $0x1  }
0x78: {  	p0 =	sne.s32 s8, $0x17C0  }
.Ltmp4:
0x79: {  	_ = 	snop;
	(pc) =	sbr.rel @p0 .LBB2_11-.Ltmp4, $4  }
0x7a: {  	v2 =	vsub.s32 v1, v0;
	v3 =	vand.u32 $0x3FFF, v1  }
0x7b: {  	vm0 =	vlt.u32 v2, $0x1DC000;
	v3 =	vor.u32 $0x1DC000, v3  }
0x7c: {  	s9 =	sshra.s32 s8, $0x2;
	v2 =	vsel vm0, v2, v3  }
0x7d: {  	s8 =	sadd.s32 $0x40, s8;
	v1 =	vld [tilespmem:s9+$0x1E600];
	[tilespmem:s4+$0x1F800] =	vst v2;
	s4 =	smov.u32 s9  }
0x7e: {  	_ =	sdelay $0x3  }
0x7f: {  	v0 =	vsub.s32 v1, v0;
	v63 =	vand.u32 $0x3FFF, v1  }
0x80: {  	vm0 =	vlt.u32 v0, $0x1DC000;
	v1 =	vor.u32 $0x1DC000, v63  }
0x81: {  	v0 =	vsel vm0, v0, v1  }
0x82: {  	[tilespmem:s4+$0x1F800] =	vst v0  }
0x83: {  	[spmem:s2] =	stream.indirect.scatter.add.f32 [tilespmem:s21], [sflag:$0x5], $0x1, s25, s24, $0xb8;
	[tilespmem:$0x1FE00] =	vst v63  }
0x84: {  	s4 =	smul.u32 $0x930000, s31;
	_ =	swait.ge [sflag:s17], $0x600  }
0x85: {  	p0 =	sgt.u32 s1, $0x3;
	s1 =	rddreg [dreg:$0x7]  }
0x86: {  	[sflag:s17] =	ssyncset.done $0x0;
	s1 =	sadd.s32 @p0 s4, s1  }
0x87: {  	[sflag:s17] =	ssyncadd.s32 $0xFFFFFA00;
	s1 =	sshrl.u32 @p0 s1, $0x3  }
0x88: {  	s8 =	sshrl.u32 @p0 s14, $0x3;
	[bflag:$0x0] =	sbarrier.arrive $0xFFFF;
	s1 =	sadd.s32 @p0 s7, s1  }
0x89: {  	[hbm:s1], [sflag:s12] =	dma.local @p0 [spmem:s8], $0x3800  }
0x8a: {  	s8 =	rddreg [dreg:$0x3]  }
0x8b: {  	s1 =	simm.s32 @p0 $0x5;
	s0 =	sadd.s32 @!p0 s8, s0  }
0x8c: {  	_ =	swait.ge @p0 [sflag:s1], $0x3800;
	s0 =	sadd.s32 @!p0 s4, s0  }
0x8d: {  	[sflag:s1] =	ssyncset.done @p0 $0x0;
	s0 =	sshrl.u32 @!p0 s0, $0x3  }
0x8e: {  	[sflag:s1] =	ssyncadd.s32 @p0 $0xFFFFC800;
	s1 =	sshrl.u32 @!p0 s13, $0x3;
	s0 =	sadd.s32 @!p0 s7, s0  }
0x8f: {  	[hbm:s0], [sflag:s12] =	dma.local @!p0 [spmem:s1], $0x3B80  }
0x90: {  	s0 =	simm.s32 @!p0 $0x5  }
0x91: {  	_ =	swait.ge @!p0 [sflag:s0], $0x3B80  }
0x92: {  	s30 =	sadd.s32 $0x1, s30;
	[sflag:s0] =	ssyncset.done @!p0 $0x0  }
0x93: {  	[sflag:s0] =	ssyncadd.s32 @!p0 $0xFFFFC480;
	p0 =	sne.s32 s30, $0x5  }
.Ltmp5:
0x94: {  	_ = 	snop;
	(pc) =	sbr.rel @p0 .LBB2_2-.Ltmp5, $2  }
0x95: {  	_ =	sdelay $0x1  }
0x96: {  	[bflag:$0x0] =	sbarrier.arrive $0xFFFF;
	_ =	sdelay $0x1  }
0x97: {  	s1 =	rddreg [dreg:$0x9]  }
0x98: {  	s0 =	rddreg [dreg:$0x8];
	s1 =	sadd.s32 $0x1, s1  }
0x99: {  	p0 =	sne.s32 s1, s0  }
.Ltmp6:
0x9a: {  	_ = 	snop;
	(pc) =	sbr.rel @p0 .LBB2_1-.Ltmp6, $1  }
0x9b: {  	_ =	sdelay $0x3  }
0x9c: {  	_ =	sfence.sel $0x180000  }
0x9d: {  	[bflag:$0x0] =	sbarrier.arrive $0xFFFF  }
0x9e: {  	_ =	strace $0x9000004A  }
0x9f: {  	s0 =	stileid.u32;
	[bflag:$0x2] =	sbarrier.arrive $0xFFFF  }
0xa0: {  	p0 =	sne.s32 s0, $0x0;
	s0 =	rddreg [dreg:$0x2]  }
0xa1: {  	s0 =	sadd.s32 @!p0 $0x100000, s0  }
0xa2: {  	[sflag:s0] =	ssyncadd.tile.s32 @!p0 $0x1;
	_ =	shalt  }
.Lfunc_end2:
_tile_overlayer_lowered:
.L_overlay_start_2:
0xa3: {  	(tag) =	ssettag $0x2  }
0xa4: {  	s0 =	rddreg [dreg:$0x0];
	s2 =	stileid.u32  }
0xa5: {  	s1 =	rddreg [dreg:$0x1];
	p0 =	sne.s32 s2, $0x0  }
0xa6: {  	s3 =	rddreg [dreg:$0x2];
	[bflag:$0x3] =	sbarrier.arrive $0xFFFF;
	s2 =	simm.s32 @!p0 $0x1C05  }
0xa7: {  	[timem:s3], [sflag:s2] =	dma.local @!p0 [hbm:s0], s1  }
0xa8: {  	s0 =	simm.s32 @!p0 $0x5  }
0xa9: {  	_ =	swait.ge @!p0 [sflag:s0], s1  }
0xaa: {  	s1 =	ssub.s32 @!p0 $0x0, s1;
	[sflag:s0] =	ssyncset.done @!p0 $0x0  }
0xab: {  	[sflag:s0] =	ssyncadd.s32 @!p0 s1  }
0xac: {  	[bflag:$0x3] =	sbarrier.arrive $0xFFFF  }
0xad: {  	_ =	shalt  }

// kernel: kernel.8.cloned.1.call-start
scs
__scs_entry_jumppad:
0x0: {  	(pc) =	sbr.rel $0x88, $3  }
0x1: {  	(tag) =	ssettag $0x0;
	lr =	simm.s32 $0x1  }
0x2: {  	[smem:$0x3F9F] =	sst lr;
	_ =	strace $0xD0000000  }
0x3: {  	_ = 	snop  }
0x4: {  	_ = 	snop  }
0x5: {  	_ = 	snop  }
0x6: {  	_ = 	snop  }
0x7: {  	_ = 	snop  }
__scs_overlays_trampoline_lowered:
0x8: {  	[smem:$0x3FAE] =	sst s0  }
0x9: {  	[smem:$0x3FAF] =	sst s1  }
0xa: {  	[smem:$0x3FB0] =	sst s2  }
0xb: {  	[smem:$0x3FB1] =	sst s3  }
0xc: {  	[smem:$0x3FB2] =	sst s4  }
0xd: {  	[smem:$0x3FB3] =	sst s5  }
0xe: {  	[smem:$0x3FB4] =	sst s6  }
0xf: {  	[smem:$0x3FB5] =	sst s7  }
0x10: {  	[smem:$0x3FB6] =	sst s8  }
0x11: {  	[smem:$0x3FB7] =	sst s9;
	s0 =	simm.s32 @!p0 $0x0  }
0x12: {  	s1 =	sld [smem:$0x3F9D];
	s0 =	simm.s32 @p0 $0x1  }
0x13: {  	[smem:$0x3FB8] =	sst s0;
	s0 =	simm.s32 @!p1 $0x0  }
0x14: {  	s2 =	sld [smem:$0x3F9C];
	s0 =	simm.s32 @p1 $0x1  }
0x15: {  	[smem:$0x3FB9] =	sst s0;
	s0 =	simm.s32 @!p2 $0x0  }
0x16: {  	s3 =	sld [smem:$0x3FDB];
	s0 =	simm.s32 @p2 $0x1  }
0x17: {  	s4 =	simm.s32 $0x1BF5;
	[smem:$0x3FBB] =	sst s0  }
0x18: {  	s0 =	sld [smem:$0x3F9E];
	_ =	swait.ge [sflag:s4], $0x0  }
0x19: {  	s7 =	sld [smem:$0x3F9F]  }
0x1a: {  	s8 =	sadd.s32 $0xFFFFE003, lr  }
0x1b: {  	s9 =	sadd.s32 $0xFFFFFEF7, lr;
	s5 =	simm.s32 $0xFFFFFFFF;
	p2 =	slt.u32 s8, $0xFFFFF086  }
0x1c: {  	p1 =	slt.u32 s9, $0xF7A;
	s5 =	simm.s32 @!p2 $0x0  }
0x1d: {  	s5 =	simm.s32 @p1 $0x1;
	p0 =	seq.s32 s7, s2  }
0x1e: {  	s7 =	smul.u32 @!p0 $0xF7A, s2;
	p2 =	seq.s32 @!p0 s5, $0x0  }
0x1f: {  	s9 =	smul.u32 $0xF7A, s1;
	s8 =	simm.s32 @!p0 $0x1BF5;
	p2 =	por !p2, p0  }
0x20: {  	[sflag:s8] =	ssyncset.s32 @!p0 $0xFFFFF086;
	s6 =	sadd.s32 @!p0 s3, s7;
	s7 =	simm.s32 @!p0 $0x108  }
0x21: {  	s3 =	sadd.s32 s3, s9;
	s6 =	sadd.s32 @!p0 $0x88, s6;
	s7 =	simm.s32 @p2 $0x1082  }
0x22: {  	[simem:s7], [sflag:s8] =	dma.local @!p0 [hbm:s6], $0xF7A  }
0x23: {  	s9 =	sor.u32 $0xD0000000, s2;
	s6 =	simm.s32 $0x108;
	_ =	swait.ge @!p0 [sflag:s8], $0x0  }
0x24: {  	s3 =	sadd.s32 $0x88, s3;
	s6 =	simm.s32 @!p1 $0x1082;
	[sflag:s4] =	ssyncset.s32 $0xFFFFF086  }
0x25: {  	[simem:s6], [sflag:s4] =	dma.local [hbm:s3], $0xF7A  }
0x26: {  	[smem:$0x3F9F] =	sst s1;
	(tag) =	ssettag s2;
	_ =	strace s9  }
0x27: {  	s1 =	sld [smem:$0x3FAF]  }
0x28: {  	s2 =	sld [smem:$0x3FB0]  }
0x29: {  	s4 =	sld [smem:$0x3FB2]  }
0x2a: {  	p0 =	seq.s32 s5, $0x0;
	s5 =	sld [smem:$0x3FB3]  }
0x2b: {  	s6 =	sld [smem:$0x3FB4]  }
0x2c: {  	s7 =	sld [smem:$0x3FB5]  }
0x2d: {  	s3 =	simm.s32 $0x108;
	s8 =	sld [smem:$0x3FB6]  }
0x2e: {  	s3 =	simm.s32 @!p0 $0x1082;
	s9 =	sld [smem:$0x3FB7]  }
0x2f: {  	lr =	sadd.s32 s0, s3;
	s0 =	sld [smem:$0x3FAE]  }
0x30: {  	s3 =	sld [smem:$0x3FB1]  }
0x31: {  	[smem:$0x3FBA] =	sst s10  }
0x32: {  	s10 =	sld [smem:$0x3FB8];
	_ =	sdelay $0x3  }
0x33: {  	p0 =	seq.s32 s10, $0x1;
	s10 =	sld [smem:$0x3FBA];
	_ =	sdelay $0x3  }
0x34: {  	[smem:$0x3FBA] =	sst s10  }
0x35: {  	s10 =	sld [smem:$0x3FB9];
	_ =	sdelay $0x3  }
0x36: {  	p1 =	seq.s32 s10, $0x1;
	s10 =	sld [smem:$0x3FBA];
	_ =	sdelay $0x3  }
0x37: {  	[smem:$0x3FBA] =	sst s10  }
0x38: {  	s10 =	sld [smem:$0x3FBB]  }
0x39: {  	_ = 	snop;
	(pc) =	sbr.ind lr, $3  }
0x3a: {  	_ = 	snop  }
0x3b: {  	_ = 	snop  }
0x3c: {  	p2 =	seq.s32 s10, $0x1;
	s10 =	sld [smem:$0x3FBA]  }
0x3d: {  	_ =	shalt  }
0x3e: {  	_ =	shalt  }
0x3f: {  	_ =	shalt  }
0x40: {  	_ =	shalt  }
0x41: {  	_ =	shalt  }
0x42: {  	_ =	shalt  }
0x43: {  	_ =	shalt  }
0x44: {  	_ =	shalt  }
0x45: {  	_ =	shalt  }
0x46: {  	_ =	shalt  }
0x47: {  	_ =	shalt  }
0x48: {  	_ =	shalt  }
0x49: {  	_ =	shalt  }
0x4a: {  	_ =	shalt  }
0x4b: {  	_ =	shalt  }
0x4c: {  	_ =	shalt  }
0x4d: {  	_ =	shalt  }
0x4e: {  	_ =	shalt  }
0x4f: {  	_ =	shalt  }
0x50: {  	_ =	shalt  }
0x51: {  	_ =	shalt  }
0x52: {  	_ =	shalt  }
0x53: {  	_ =	shalt  }
0x54: {  	_ =	shalt  }
0x55: {  	_ =	shalt  }
0x56: {  	_ =	shalt  }
0x57: {  	_ =	shalt  }
0x58: {  	_ =	shalt  }
0x59: {  	_ =	shalt  }
0x5a: {  	_ =	shalt  }
0x5b: {  	_ =	shalt  }
0x5c: {  	_ =	shalt  }
0x5d: {  	_ =	shalt  }
0x5e: {  	_ =	shalt  }
0x5f: {  	_ =	shalt  }
0x60: {  	_ =	shalt  }
0x61: {  	_ =	shalt  }
0x62: {  	_ =	shalt  }
0x63: {  	_ =	shalt  }
0x64: {  	_ =	shalt  }
0x65: {  	_ =	shalt  }
0x66: {  	_ =	shalt  }
0x67: {  	_ =	shalt  }
0x68: {  	_ =	shalt  }
0x69: {  	_ =	shalt  }
0x6a: {  	_ =	shalt  }
0x6b: {  	_ =	shalt  }
0x6c: {  	_ =	shalt  }
0x6d: {  	_ =	shalt  }
0x6e: {  	_ =	shalt  }
0x6f: {  	_ =	shalt  }
0x70: {  	_ =	shalt  }
0x71: {  	_ =	shalt  }
0x72: {  	_ =	shalt  }
0x73: {  	_ =	shalt  }
0x74: {  	_ =	shalt  }
0x75: {  	_ =	shalt  }
0x76: {  	_ =	shalt  }
0x77: {  	_ =	shalt  }
0x78: {  	_ =	shalt  }
0x79: {  	_ =	shalt  }
0x7a: {  	_ =	shalt  }
0x7b: {  	_ =	shalt  }
0x7c: {  	_ =	shalt  }
0x7d: {  	_ =	shalt  }
0x7e: {  	_ =	shalt  }
0x7f: {  	_ =	shalt  }
0x80: {  	_ =	shalt  }
0x81: {  	_ =	shalt  }
0x82: {  	_ =	shalt  }
0x83: {  	_ =	shalt  }
0x84: {  	_ =	shalt  }
0x85: {  	_ =	shalt  }
0x86: {  	_ =	shalt  }
0x87: {  	_ =	shalt  }
.Lfunc_end0:
.L_simem_size_0:
called_computation_lowered:
.L_overlay_start_0:
0x88: {  	s2 =	sld [smem:$0x3FD9]  }
0x89: {  	s3 =	sld [smem:$0x3FFE];
	_ =	sdelay $0x1  }
0x8a: {  	s1 =	srdreg.scid  }
0x8b: {  	s0 =	sand.u32 $0x1, s1  }
0x8c: {  	s17 =	sshll.u32 s0, $0xA;
	s2 =	sadd.s32 s3, s2  }
0x8d: {  	s2 =	sadd.s32 s2, s17  }
0x8e: {  	[smem:$0x3FC6] =	sst s2  }
0x8f: {  	_ = 	snop  }
0x90: {  	s2 =	sld [smem:$0x3FD0];
	(tm) =	ssettm $0x1  }
0x91: {  	s18 =	sld [smem:$0x3FFB];
	_ =	sdelay $0x3  }
0x92: {  	_ =	strace s18  }
0x93: {  	s3 =	sld [smem:$0x3FFC];
	_ =	sdelay $0x3  }
0x94: {  	_ =	strace s3  }
0x95: {  	s3 =	sld [smem:$0x3FFD];
	_ =	sdelay $0x3  }
0x96: {  	_ =	strace s3  }
0x97: {  	_ =	strace $0x8FFFFFFF  }
0x98: {  	s19 =	sld [smem:$0x3FDB];
	_ =	sdelay $0x1  }
0x99: {  	s4 =	simm.s32 $_scs_section_size  }
0x9a: {  	s5 =	simm.s32 $_size__tile_overlayer_lowered;
	s6 =	simm.s32 $_tile_overlayer_lowered  }
0x9b: {  	s22 =	simm.s32 $0x1BFF;
	s21 =	sshll.u32 s6, $0x1;
	s3 =	sadd.s32 s4, s19  }
0x9c: {  	s7 =	simm.s32 $0x0;
	s20 =	sshll.u32 s5, $0x1;
	s5 =	sadd.s32 s21, s3  }
0x9d: {  	[timem:s7], [sflag:s22] =	dma.local [hbm:s5], s20  }
0x9e: {  	_ =	swait.ge [sflag:s22], s20  }
0x9f: {  	s4 =	ssub.s32 $0x0, s20;
	[sflag:s22] =	ssyncset.done $0x0  }
0xa0: {  	[sflag:s22] =	ssyncadd.s32 s4;
	_ =	sdelay $0x1  }
0xa1: {  	s23 =	simm.s32 $0x1B8B  }
0xa2: {  	_ =	swait.ge [sflag:s23], $0x1  }
0xa3: {  	[sflag:s23] =	ssyncset.done $0x0  }
0xa4: {  	s25 =	simm.s32 $0x1B8E;
	s24 =	sld [smem:$0x3FFE];
	[sflag:s23] =	ssyncadd.s32 $0xFFFFFFFF  }
0xa5: {  	s26 =	simm.s32 $execute0_lowered;
	[smem:$0x3FD2] =	sst s25  }
0xa6: {  	s5 =	sshll.u32 s26, $0x1;
	_ =	strace $0x80000046;
	[dreg:$0x1] =	wrdreg $0xFFFFFFFF  }
0xa7: {  	s28 =	simm.s32 $_size_execute0_lowered;
	s3 =	sadd.s32 s3, s5;
	[dreg:$0x0] =	wrdreg $0x0  }
0xa8: {  	s5 =	sshll.u32 s28, $0x1;
	[dreg:$0x2] =	wrdreg s3  }
0xa9: {  	[dreg:$0x3] =	wrdreg s5  }
0xaa: {  	[dreg:$0x4] =	wrdreg $0xC0  }
0xab: {  	_ =	task [dreg:s7], $0x5FFFF  }
0xac: {  	[dreg:$0x1] =	wrdreg $0xFFFFFFFF  }
0xad: {  	[dreg:$0x0] =	wrdreg $0x60  }
0xae: {  	[dreg:$0x2] =	wrdreg s24  }
0xaf: {  	[dreg:$0x3] =	wrdreg s2  }
0xb0: {  	[dreg:$0x4] =	wrdreg $0x0  }
0xb1: {  	[dreg:$0x5] =	wrdreg $0x9  }
0xb2: {  	_ =	task.clear_ibuf [dreg:s7], $0x6FFFF;
	_ =	strace $0x90000046  }
0xb3: {  	s29 =	simm.s32 $0x9;
	_ =	strace $0x80000048  }
0xb4: {  	_ =	swait.ge [sflag:s29], $0x1  }
0xb5: {  	[sflag:s29] =	ssyncadd.s32 $0xFFFFFFFF  }
0xb6: {  	_ =	strace $0x90000048  }
0xb7: {  	_ =	sfence  }
0xb8: {  	s30 =	sld [smem:$0x0];
	_ =	sdelay $0x2  }
0xb9: {  	s31 =	sshll.u32 s1, $0xD;
	s1 =	sshrl.u32 s1, $0x2  }
0xba: {  	s3 =	sand.u32 $0x4000, s31;
	s1 =	sadd.s32 s1, s30  }
0xbb: {  	s0 =	sor.u32 s3, s0;
	s1 =	sshll.u32 s1, $0x11  }
0xbc: {  	s0 =	sor.u32 s1, s0  }
0xbd: {  	s0 =	sadd.s32 $0x8F2B, s0  }
0xbe: {  	[sflag:s0] =	ssyncadd.remote.s32 $0x1  }
0xbf: {  	_ =	sfence.sel $0xFFFF  }
0xc0: {  	[dreg:$0x0] =	wrdreg $0xFFFFFFFF;
	(pc) =	sbr.abs _section_cstart, $3  }
0xc1: {  	[dreg:$0x1] =	wrdreg $0xFFFFFFFF  }
0xc2: {  	_ =	task.clear_ibuf [dreg:s7], $0x2FFFF;
	_ =	strace $0x9FFFFFFF  }
0xc3: {  	(tm) =	ssettm $0x7FFFFFFF  }
tec
execute0_lowered:
.L_overlay_start_1:
0x0: {  	(tag) =	ssettag $0x1  }
0x1: {  	s0 =	rddreg [dreg:$0x0]  }
0x2: {  	s2 =	rddreg [dreg:$0x1]  }
0x3: {  	s3 =	rddreg [dreg:$0x2];
	s9 =	stileid.u32  }
0x4: {  	s4 =	simm.s32 $0x0;
	s1 =	srdreg.scid;
	s17 =	simm.s32 $0x5  }
0x5: {  	s18 =	simm.s32 $0x1E000;
	s19 =	simm.s32 $0x1EC00;
	s20 =	simm.s32 $0x1E600  }
0x6: {  	s21 =	simm.s32 $0x1F200;
	s22 =	simm.s32 $0x1;
	s23 =	simm.s32 $0x3  }
0x7: {  	s28 =	simm.s32 $0x4;
	s10 =	smul.u32 $0x1DC00, s9;
	[smem:$0x7FF] =	sst s4  }
0x8: {  	s5 =	sand.u32 $0x1, s1;
	s7 =	sadd.s32 $0x1000, s0;
	s26 =	smul.u32 $0x1C000, s9  }
0x9: {  	s8 =	sadd.s32 $0xCF800, s0;
	s29 =	smul.u32 $0x24C00, s9;
	s30 =	sshll.u32 s9, $0x6  }
0xa: {  	_ =	strace $0x80000047;
	[dreg:$0x5] =	wrdreg s5;
	s5 =	ssub.s32 $0x2, s5  }
0xb: {  	s12 =	sor.u32 $0x1C05, s30;
	s24 =	sshrl.u32 s10, $0x3;
	[dreg:$0x6] =	wrdreg s29  }
0xc: {  	s6 =	sshrl.u32 s5, $0x1;
	[dreg:$0x4] =	wrdreg s10;
	s10 =	sadd.s32 s10, s3  }
0xd: {  	s31 =	sadd.s32 $0x770000, s26;
	s14 =	sadd.s32 s26, s3;
	s26 =	simm.s32 $0x2  }
0xe: {  	s1 =	sadd.s32 s24, s0;
	s25 =	ssub.s32 s5, s6;
	[dreg:$0x8] =	wrdreg s31  }
0xf: {  	s13 =	smov.u32 s10;
	s16 =	sshrl.u32 s10, $0x3;
	s1 =	sadd.s32 $0x94000, s1  }
0x10: {  	s24 =	simm.s32 $0x600;
	s0 =	smax.u32 s25, $0x1;
	[dreg:$0x7] =	wrdreg s1  }
0x11: {  	s25 =	simm.s32 $0x1F800;
	[dreg:$0x9] =	wrdreg s0;
	s1 =	simm.s32 $0x0  }
.LBB2_1:
0x12: {  	[dreg:$0xa] =	wrdreg s1;
	s30 =	simm.s32 $0x0  }
.LBB2_2:
0x13: {  	s0 =	sshll.u32 s30, $0x1;
	s1 =	rddreg [dreg:$0x5]  }
0x14: {  	s0 =	sor.u32 s1, s0  }
0x15: {  	s5 =	rddreg [dreg:$0x7];
	s1 =	smulhi.u32 $0x66666667, s0  }
0x16: {  	[spmem:s16], [sflag:s12] =	dma.local [hbm:s5], $0x3B80  }
0x17: {  	s31 =	sshrl.u32 s1, $0x1  }
0x18: {  	_ =	swait.ge [sflag:s17], $0x3B80;
	s1 =	smul.u32 $0x24C000, s31  }
0x19: {  	s9 =	rddreg [dreg:$0x6]  }
0x1a: {  	[sflag:s17] =	ssyncset.done $0x0;
	s5 =	sadd.s32 s9, s1  }
0x1b: {  	s15 =	simm.s32 $0x0;
	[sflag:s17] =	ssyncadd.s32 $0xFFFFC480;
	s1 =	sshrl.u32 s5, $0x3  }
0x1c: {  	[bflag:$0x0] =	sbarrier.arrive $0xFFFF;
	s10 =	smul.u32 $0x5, s31;
	s6 =	sadd.s32 s7, s1  }
0x1d: {  	[tilespmem:s18], [sflag:$0x1] =	stream.linear.gather [hbm4b:s6+s15], $0x600, $0x38;
	[tilespmem:$0x1FE00] =	vst v63  }
0x1e: {  	s9 =	sadd.s32 s2, s1;
	s11 =	sadd.s32 $0xC0, s1;
	s1 =	ssub.s32 s0, s10  }
0x1f: {  	[tilespmem:s19], [sflag:$0x3] =	stream.linear.gather [hbm4b:s9+s15], $0x600, $0x38;
	[tilespmem:$0x1FE00] =	vst v63  }
0x20: {  	s10 =	sadd.s32 s7, s11;
	s0 =	smul.u32 $0x1DC000, s1  }
0x21: {  	[tilespmem:s20], [sflag:$0x2] =	stream.linear.gather [hbm4b:s10+s15], $0x600, $0x38;
	[tilespmem:$0x1FE00] =	vst v63  }
0x22: {  	s29 =	sadd.s32 $0xC00, s5;
	s5 =	sadd.s32 $0x1200, s5;
	s11 =	sadd.s32 s2, s11  }
0x23: {  	v0 =	vmov s0;
	[tilespmem:s21], [sflag:$0x4] =	stream.linear.gather [hbm4b:s11+s15], $0x600, $0x38;
	[tilespmem:$0x1FE00] =	vst v63  }
.LBB2_3:
0x24: {  	_ =	swait.ge [sflag:s22], $0x600  }
0x25: {  	[sflag:s22] =	ssyncset.done $0x0  }
0x26: {  	[sflag:s22] =	ssyncadd.s32 $0xFFFFFA00  }
0x27: {  	_ =	swait.ge [sflag:s23], $0x600  }
0x28: {  	[sflag:s23] =	ssyncset.done $0x0  }
0x29: {  	s6 =	simm.s32 $0x0;
	[sflag:s23] =	ssyncadd.s32 $0xFFFFFA00  }
0x2a: {  	s9 =	simm.s32 $0x40;
	v1 =	vld [tilespmem:s6+$0x1E000]  }
.LBB2_4:
0x2b: {  	_ =	sdelay $0x1  }
0x2c: {  	p0 =	sne.s32 s9, $0x17C0  }
.Ltmp0:
0x2d: {  	_ = 	snop;
	(pc) =	sbr.rel @p0 .LBB2_4-.Ltmp0, $4  }
0x2e: {  	v2 =	vsub.s32 v1, v0;
	v3 =	vand.u32 $0x3FFF, v1  }
0x2f: {  	vm0 =	vlt.u32 v2, $0x1DC000;
	v3 =	vor.u32 $0x1DC000, v3  }
0x30: {  	s10 =	sshra.s32 s9, $0x2;
	v2 =	vsel vm0, v2, v3  }
0x31: {  	s9 =	sadd.s32 $0x40, s9;
	v1 =	vld [tilespmem:s10+$0x1E000];
	[tilespmem:s6+$0x1F800] =	vst v2;
	s6 =	smov.u32 s10  }
0x32: {  	_ =	sdelay $0x3  }
0x33: {  	v2 =	vsub.s32 v1, v0;
	v1 =	vand.u32 $0x3FFF, v1  }
0x34: {  	vm0 =	vlt.u32 v2, $0x1DC000;
	v1 =	vor.u32 $0x1DC000, v1  }
0x35: {  	v1 =	vsel vm0, v2, v1  }
0x36: {  	[tilespmem:s6+$0x1F800] =	vst v1;
	s6 =	smul.u32 $0xC00, s15  }
0x37: {  	[spmem:s3] =	stream.indirect.scatter.add.f32 [tilespmem:s19], [sflag:$0x5], $0x1, s25, s24, $0xb8;
	[tilespmem:$0x1FE00] =	vst v63  }
0x38: {  	_ =	swait.ge [sflag:s17], $0x600;
	s9 =	sadd.s32 s6, s29  }
0x39: {  	[sflag:s17] =	ssyncset.done $0x0;
	s9 =	sshrl.u32 s9, $0x3  }
0x3a: {  	s11 =	simm.s32 $0x0;
	[sflag:s17] =	ssyncadd.s32 $0xFFFFFA00;
	s10 =	sadd.s32 s7, s9  }
0x3b: {  	[tilespmem:s18], [sflag:$0x1] =	stream.linear.gather [hbm4b:s10+s11], $0x600, $0x38;
	[tilespmem:$0x1FE00] =	vst v63  }
0x3c: {  	s9 =	sadd.s32 s2, s9  }
0x3d: {  	[tilespmem:s19], [sflag:$0x3] =	stream.linear.gather [hbm4b:s9+s11], $0x600, $0x38;
	[tilespmem:$0x1FE00] =	vst v63  }
0x3e: {  	_ =	swait.ge [sflag:s26], $0x600  }
0x3f: {  	[sflag:s26] =	ssyncset.done $0x0  }
0x40: {  	[sflag:s26] =	ssyncadd.s32 $0xFFFFFA00  }
0x41: {  	_ =	swait.ge [sflag:s28], $0x600  }
0x42: {  	[sflag:s28] =	ssyncset.done $0x0  }
0x43: {  	s9 =	simm.s32 $0x0;
	[sflag:s28] =	ssyncadd.s32 $0xFFFFFA00  }
0x44: {  	s10 =	simm.s32 $0x40;
	v1 =	vld [tilespmem:s9+$0x1E600]  }
.LBB2_6:
0x45: {  	_ =	sdelay $0x1  }
0x46: {  	p0 =	sne.s32 s10, $0x17C0  }
.Ltmp1:
0x47: {  	_ = 	snop;
	(pc) =	sbr.rel @p0 .LBB2_6-.Ltmp1, $4  }
0x48: {  	v2 =	vsub.s32 v1, v0;
	v3 =	vand.u32 $0x3FFF, v1  }
0x49: {  	vm0 =	vlt.u32 v2, $0x1DC000;
	v3 =	vor.u32 $0x1DC000, v3  }
0x4a: {  	s11 =	sshra.s32 s10, $0x2;
	v2 =	vsel vm0, v2, v3  }
0x4b: {  	s10 =	sadd.s32 $0x40, s10;
	v1 =	vld [tilespmem:s11+$0x1E600];
	[tilespmem:s9+$0x1F800] =	vst v2;
	s9 =	smov.u32 s11  }
0x4c: {  	_ =	sdelay $0x3  }
0x4d: {  	v2 =	vsub.s32 v1, v0;
	v1 =	vand.u32 $0x3FFF, v1  }
0x4e: {  	vm0 =	vlt.u32 v2, $0x1DC000;
	v1 =	vor.u32 $0x1DC000, v1  }
0x4f: {  	v1 =	vsel vm0, v2, v1  }
0x50: {  	s15 =	sadd.s32 $0x1, s15;
	[tilespmem:s9+$0x1F800] =	vst v1  }
0x51: {  	[spmem:s3] =	stream.indirect.scatter.add.f32 [tilespmem:s21], [sflag:$0x5], $0x1, s25, s24, $0xb8;
	[tilespmem:$0x1FE00] =	vst v63  }
0x52: {  	s6 =	sadd.s32 s6, s5;
	p0 =	sne.s32 s15, $0x30;
	_ =	swait.ge [sflag:s17], $0x600  }
.Ltmp2:
0x53: {  	s6 =	sshrl.u32 s6, $0x3;
	[sflag:s17] =	ssyncset.done $0x0;
	(pc) =	sbr.rel @p0 .LBB2_3-.Ltmp2, $4  }
0x54: {  	s11 =	sadd.s32 s7, s6;
	[sflag:s17] =	ssyncadd.s32 $0xFFFFFA00  }
0x55: {  	[tilespmem:s20], [sflag:$0x2] =	stream.linear.gather [hbm4b:s11+s4], $0x600, $0x38;
	[tilespmem:$0x1FE00] =	vst v63  }
0x56: {  	s6 =	sadd.s32 s2, s6  }
0x57: {  	[tilespmem:s21], [sflag:$0x4] =	stream.linear.gather [hbm4b:s6+s4], $0x600, $0x38;
	[tilespmem:$0x1FE00] =	vst v63  }
0x58: {  	_ =	swait.ge [sflag:s22], $0x600  }
0x59: {  	[sflag:s22] =	ssyncset.done $0x0  }
0x5a: {  	[sflag:s22] =	ssyncadd.s32 $0xFFFFFA00  }
0x5b: {  	_ =	swait.ge [sflag:s23], $0x600  }
0x5c: {  	[sflag:s23] =	ssyncset.done $0x0  }
0x5d: {  	s5 =	simm.s32 $0x0;
	[sflag:s23] =	ssyncadd.s32 $0xFFFFFA00  }
0x5e: {  	s6 =	simm.s32 $0x40;
	v1 =	vld [tilespmem:s5+$0x1E000]  }
.LBB2_9:
0x5f: {  	_ =	sdelay $0x1  }
0x60: {  	p0 =	sne.s32 s6, $0x17C0  }
.Ltmp3:
0x61: {  	_ = 	snop;
	(pc) =	sbr.rel @p0 .LBB2_9-.Ltmp3, $4  }
0x62: {  	v2 =	vsub.s32 v1, v0;
	v3 =	vand.u32 $0x3FFF, v1  }
0x63: {  	vm0 =	vlt.u32 v2, $0x1DC000;
	v3 =	vor.u32 $0x1DC000, v3  }
0x64: {  	s9 =	sshra.s32 s6, $0x2;
	v2 =	vsel vm0, v2, v3  }
0x65: {  	s6 =	sadd.s32 $0x40, s6;
	v1 =	vld [tilespmem:s9+$0x1E000];
	[tilespmem:s5+$0x1F800] =	vst v2;
	s5 =	smov.u32 s9  }
0x66: {  	_ =	sdelay $0x3  }
0x67: {  	v2 =	vsub.s32 v1, v0;
	v1 =	vand.u32 $0x3FFF, v1  }
0x68: {  	vm0 =	vlt.u32 v2, $0x1DC000;
	v1 =	vor.u32 $0x1DC000, v1  }
0x69: {  	v1 =	vsel vm0, v2, v1  }
0x6a: {  	[tilespmem:s5+$0x1F800] =	vst v1  }
0x6b: {  	[spmem:s3] =	stream.indirect.scatter.add.f32 [tilespmem:s19], [sflag:$0x5], $0x1, s25, s24, $0xb8;
	[tilespmem:$0x1FE00] =	vst v63  }
0x6c: {  	_ =	swait.ge [sflag:s17], $0x600  }
0x6d: {  	[sflag:s17] =	ssyncset.done $0x0  }
0x6e: {  	[sflag:s17] =	ssyncadd.s32 $0xFFFFFA00  }
0x6f: {  	_ =	swait.ge [sflag:s26], $0x600  }
0x70: {  	[sflag:s26] =	ssyncset.done $0x0  }
0x71: {  	[sflag:s26] =	ssyncadd.s32 $0xFFFFFA00  }
0x72: {  	_ =	swait.ge [sflag:s28], $0x600  }
0x73: {  	[sflag:s28] =	ssyncset.done $0x0  }
0x74: {  	s5 =	simm.s32 $0x0;
	[sflag:s28] =	ssyncadd.s32 $0xFFFFFA00  }
0x75: {  	s6 =	simm.s32 $0x40;
	v1 =	vld [tilespmem:s5+$0x1E600]  }
.LBB2_11:
0x76: {  	_ =	sdelay $0x1  }
0x77: {  	p0 =	sne.s32 s6, $0x17C0  }
.Ltmp4:
0x78: {  	_ = 	snop;
	(pc) =	sbr.rel @p0 .LBB2_11-.Ltmp4, $4  }
0x79: {  	v2 =	vsub.s32 v1, v0;
	v3 =	vand.u32 $0x3FFF, v1  }
0x7a: {  	vm0 =	vlt.u32 v2, $0x1DC000;
	v3 =	vor.u32 $0x1DC000, v3  }
0x7b: {  	s9 =	sshra.s32 s6, $0x2;
	v2 =	vsel vm0, v2, v3  }
0x7c: {  	s6 =	sadd.s32 $0x40, s6;
	v1 =	vld [tilespmem:s9+$0x1E600];
	[tilespmem:s5+$0x1F800] =	vst v2;
	s5 =	smov.u32 s9  }
0x7d: {  	_ =	sdelay $0x3  }
0x7e: {  	v0 =	vsub.s32 v1, v0;
	v63 =	vand.u32 $0x3FFF, v1  }
0x7f: {  	vm0 =	vlt.u32 v0, $0x1DC000;
	v1 =	vor.u32 $0x1DC000, v63  }
0x80: {  	v0 =	vsel vm0, v0, v1  }
0x81: {  	[tilespmem:s5+$0x1F800] =	vst v0  }
0x82: {  	[spmem:s3] =	stream.indirect.scatter.add.f32 [tilespmem:s21], [sflag:$0x5], $0x1, s25, s24, $0xb8;
	[tilespmem:$0x1FE00] =	vst v63  }
0x83: {  	s5 =	smul.u32 $0x930000, s31;
	_ =	swait.ge [sflag:s17], $0x600  }
0x84: {  	p0 =	sgt.u32 s1, $0x3;
	s1 =	rddreg [dreg:$0x8]  }
0x85: {  	[sflag:s17] =	ssyncset.done $0x0;
	s1 =	sadd.s32 @p0 s5, s1  }
0x86: {  	[sflag:s17] =	ssyncadd.s32 $0xFFFFFA00;
	s1 =	sshrl.u32 @p0 s1, $0x3  }
0x87: {  	s6 =	sshrl.u32 @p0 s14, $0x3;
	[bflag:$0x0] =	sbarrier.arrive $0xFFFF;
	s1 =	sadd.s32 @p0 s8, s1  }
0x88: {  	[hbm:s1], [sflag:s12] =	dma.local @p0 [spmem:s6], $0x3800  }
0x89: {  	s6 =	rddreg [dreg:$0x4]  }
0x8a: {  	s1 =	simm.s32 @p0 $0x5;
	s0 =	sadd.s32 @!p0 s6, s0  }
0x8b: {  	_ =	swait.ge @p0 [sflag:s1], $0x3800;
	s0 =	sadd.s32 @!p0 s5, s0  }
0x8c: {  	[sflag:s1] =	ssyncset.done @p0 $0x0;
	s0 =	sshrl.u32 @!p0 s0, $0x3  }
0x8d: {  	[sflag:s1] =	ssyncadd.s32 @p0 $0xFFFFC800;
	s1 =	sshrl.u32 @!p0 s13, $0x3;
	s0 =	sadd.s32 @!p0 s8, s0  }
0x8e: {  	[hbm:s0], [sflag:s12] =	dma.local @!p0 [spmem:s1], $0x3B80  }
0x8f: {  	s0 =	simm.s32 @!p0 $0x5  }
0x90: {  	_ =	swait.ge @!p0 [sflag:s0], $0x3B80  }
0x91: {  	s30 =	sadd.s32 $0x1, s30;
	[sflag:s0] =	ssyncset.done @!p0 $0x0  }
0x92: {  	[sflag:s0] =	ssyncadd.s32 @!p0 $0xFFFFC480;
	p0 =	sne.s32 s30, $0x5  }
.Ltmp5:
0x93: {  	_ = 	snop;
	(pc) =	sbr.rel @p0 .LBB2_2-.Ltmp5, $2  }
0x94: {  	_ =	sdelay $0x1  }
0x95: {  	[bflag:$0x0] =	sbarrier.arrive $0xFFFF;
	_ =	sdelay $0x1  }
0x96: {  	s1 =	rddreg [dreg:$0xa]  }
0x97: {  	s0 =	rddreg [dreg:$0x9];
	s1 =	sadd.s32 $0x1, s1  }
0x98: {  	p0 =	sne.s32 s1, s0  }
.Ltmp6:
0x99: {  	_ = 	snop;
	(pc) =	sbr.rel @p0 .LBB2_1-.Ltmp6, $1  }
0x9a: {  	_ =	sdelay $0x3  }
0x9b: {  	_ =	sfence.sel $0x180000  }
0x9c: {  	[bflag:$0x0] =	sbarrier.arrive $0xFFFF  }
0x9d: {  	_ =	strace $0x90000047  }
0x9e: {  	s0 =	stileid.u32;
	[bflag:$0x2] =	sbarrier.arrive $0xFFFF  }
0x9f: {  	p0 =	sne.s32 s0, $0x0;
	s0 =	rddreg [dreg:$0x3]  }
0xa0: {  	s0 =	sadd.s32 @!p0 $0x100000, s0  }
0xa1: {  	[sflag:s0] =	ssyncadd.tile.s32 @!p0 $0x1;
	_ =	shalt  }
.Lfunc_end2:
_tile_overlayer_lowered:
.L_overlay_start_2:
0xa2: {  	(tag) =	ssettag $0x2  }
0xa3: {  	s0 =	rddreg [dreg:$0x0];
	s2 =	stileid.u32  }
0xa4: {  	s1 =	rddreg [dreg:$0x1];
	p0 =	sne.s32 s2, $0x0  }
0xa5: {  	s3 =	rddreg [dreg:$0x2];
	[bflag:$0x3] =	sbarrier.arrive $0xFFFF;
	s2 =	simm.s32 @!p0 $0x1C05  }
0xa6: {  	[timem:s3], [sflag:s2] =	dma.local @!p0 [hbm:s0], s1  }
0xa7: {  	s0 =	simm.s32 @!p0 $0x5  }
0xa8: {  	_ =	swait.ge @!p0 [sflag:s0], s1  }
0xa9: {  	s1 =	ssub.s32 @!p0 $0x0, s1;
	[sflag:s0] =	ssyncset.done @!p0 $0x0  }
0xaa: {  	[sflag:s0] =	ssyncadd.s32 @!p0 s1  }
0xab: {  	[bflag:$0x3] =	sbarrier.arrive $0xFFFF  }
0xac: {  	_ =	shalt  }

</sc_bundles>
